<compile_context>
chip_gen: v7x
topology: tpu7x:2x2x1
jax: 0.10.2.dev20260603
libtpu: 0.0.44.dev20260713+nightly
codegen_flags: <defaults>
</compile_context>

<pallas_src>
import functools

import jax
import jax.numpy as jnp
from jax import lax
from jax.experimental import pallas as pl
from jax.experimental.pallas import tpu as pltpu
from jax.experimental.pallas import tpu_sc as plsc

_D = 64
_V = 1000000
_B = 4096 * 200

_info = plsc.get_sparse_core_info()
_NC, _NS = _info.num_cores, _info.num_subcores
_NW = _NC * _NS
_BPW = _B // _NW
_CHUNK = 160
_NCHUNK = _BPW // _CHUNK
_GW = _CHUNK // 2


def _sc_gather(idx_hbm, table_hbm, out_hbm,
               idxv0, idxv1, idx20, idx21, par0, par1,
               wide0, wide1, sel0, sel1,
               sem_idx, semg0, semg1, semo0, semo1):
    wid = lax.axis_index("s") * _NC + lax.axis_index("c")
    base = wid * _BPW
    idx_v = (idxv0, idxv1)
    idx2_v = (idx20, idx21)
    par_v = (par0, par1)
    wide_v = (wide0, wide1)
    sel_v = (sel0, sel1)
    sem_g = (semg0, semg1)
    sem_out = (semo0, semo1)

    def stage(i, s):
        off = pl.multiple_of(base + i * _CHUNK, _CHUNK)
        pltpu.make_async_copy(idx_hbm.at[pl.ds(off, _CHUNK)],
                              idx_v[s].at[pl.ds(0, _CHUNK)], sem_idx).wait()

        @pl.when(i + 1 < _NCHUNK)
        def _():
            offn = pl.multiple_of(base + (i + 1) * _CHUNK, _CHUNK)
            pltpu.async_copy(idx_hbm.at[pl.ds(offn, _CHUNK)],
                             idx_v[1 - s].at[pl.ds(0, _CHUNK)], sem_idx)

        for j in range(_CHUNK // 16):
            t = idx_v[s][pl.ds(j * 16, 16)]
            idx2_v[s][pl.ds(j * 16, 16)] = lax.shift_right_logical(t, 1)
            par_v[s][pl.ds(j * 16, 16)] = (t & 1) * 64
        for j in range(_CHUNK // _GW):
            pltpu.async_copy(
                table_hbm.at[idx2_v[s].at[pl.ds(j * _GW, _GW)]],
                wide_v[s].at[pl.ds(j * _GW, _GW)], sem_g[s])

    def complete(i, s, drain):
        off = pl.multiple_of(base + i * _CHUNK, _CHUNK)
        for j in range(_CHUNK // _GW):
            pltpu.make_async_copy(
                table_hbm.at[idx2_v[s].at[pl.ds(j * _GW, _GW)]],
                wide_v[s].at[pl.ds(j * _GW, _GW)], sem_g[s]).wait()
        if drain:
            @pl.when(i >= 2)
            def _():
                pltpu.make_async_copy(sel_v[s],
                                      out_hbm.at[pl.ds(off, _CHUNK)],
                                      sem_out[s]).wait()

        @plsc.parallel_loop(0, _CHUNK, unroll=8)
        def _(r):
            b = par_v[s][pl.ds(r, 16)][0]
            for j in range(4):
                sel_v[s][r, pl.ds(j * 16, 16)] = (
                    wide_v[s][r, pl.ds(b + j * 16, 16)])

        pltpu.async_copy(sel_v[s], out_hbm.at[pl.ds(off, _CHUNK)],
                         sem_out[s])

    pltpu.async_copy(idx_hbm.at[pl.ds(pl.multiple_of(base, _CHUNK), _CHUNK)],
                     idx_v[0].at[pl.ds(0, _CHUNK)], sem_idx)
    stage(0, 0)

    def pair(g, _):
        i = g * 2
        stage(i + 1, 1)
        complete(i, 0, True)

        @pl.when(i + 2 < _NCHUNK)
        def _():
            stage(i + 2, 0)
        complete(i + 1, 1, True)
        return ()

    lax.fori_loop(0, _NCHUNK // 2, pair, ())
    for s in range(2):
        off = pl.multiple_of(base + (_NCHUNK - 2 + s) * _CHUNK, _CHUNK)
        pltpu.make_async_copy(sel_v[s], out_hbm.at[pl.ds(off, _CHUNK)],
                              sem_out[s]).wait()


@jax.jit
def _embed(token_ids_flat, wpairs):
    mesh = plsc.VectorSubcoreMesh(core_axis_name="c", subcore_axis_name="s")
    k = functools.partial(
        pl.kernel,
        mesh=mesh,
        compiler_params=pltpu.CompilerParams(needs_layout_passes=False),
        out_type=jax.ShapeDtypeStruct((_B, _D), jnp.float32),
        scratch_types=[
            pltpu.VMEM((_CHUNK + 16,), jnp.int32),
            pltpu.VMEM((_CHUNK + 16,), jnp.int32),
            pltpu.VMEM((_CHUNK,), jnp.int32),
            pltpu.VMEM((_CHUNK,), jnp.int32),
            pltpu.VMEM((_CHUNK + 16,), jnp.int32),
            pltpu.VMEM((_CHUNK + 16,), jnp.int32),
            pltpu.VMEM((_CHUNK, 128), jnp.float32),
            pltpu.VMEM((_CHUNK, 128), jnp.float32),
            pltpu.VMEM((_CHUNK, _D), jnp.float32),
            pltpu.VMEM((_CHUNK, _D), jnp.float32),
            pltpu.SemaphoreType.DMA,
            pltpu.SemaphoreType.DMA,
            pltpu.SemaphoreType.DMA,
            pltpu.SemaphoreType.DMA,
            pltpu.SemaphoreType.DMA,
        ],
    )(_sc_gather)
    return k(token_ids_flat, wpairs)


def kernel(token_ids, weight):
    flat = token_ids.reshape(-1).astype(jnp.int32)
    w128 = weight.reshape(_V // 2, 128)
    out = _embed(flat, w128)
    return out.reshape(token_ids.shape + (weight.shape[1],))

# --- scband reference (transcript-rebuilt; emitter-appended) ---
"""Pipeline reference for scband-token-embedding-14181982011902 (READ-ONLY COPY).

The authoritative reference and input builder live on the scoring server;
editing this copy changes nothing except your own understanding.
"""

import jax, jax.numpy as jnp
import numpy as np

VOCAB_SIZE = 1000000
D_MODEL = 64
BATCH = 4096
SEQ = 200

def setup_inputs(seed: int = 0) -> dict:
    key = jax.random.key(seed)
    k_idx, k_w = jax.random.split(key)
    token_ids = jax.random.randint(k_idx, (BATCH, SEQ), 0, VOCAB_SIZE, dtype=jnp.int64 if jax.config.jax_enable_x64 else jnp.int32)
    # trunc_normal_(mean=0, std=1, a=-3, b=3)
    weight = jax.random.truncated_normal(k_w, -3.0, 3.0, (VOCAB_SIZE, D_MODEL), dtype=jnp.float32)
    return {"token_ids": token_ids, "weight": weight}

def reference(token_ids, weight):
    # einx.get_at('[vocab_size] d_model, ... -> ... d_model', weight, token_ids)
    # == gather rows of the embedding table
    return jnp.take(weight, token_ids, axis=0)

if __name__ == "__main__":
    import jax
    _d = setup_inputs()
    print(jax.jit(kernel)(*tuple(_d.values())))

</pallas_src>

<mosaic_0001>
#map = affine_map<(d0, d1) -> (0)>
#map1 = affine_map<(d0, d1) -> (0, 0)>
module attributes {stable_mosaic.version = 14 : i64} {
  func.func @_sc_gather(%arg0: i32, %arg1: i32, %arg2: memref<819200xi32, #tpu.memory_space<hbm>>, %arg3: memref<500000x128xf32, #tpu.memory_space<hbm>>, %arg4: memref<819200x64xf32, #tpu.memory_space<hbm>>, %arg5: memref<176xi32, #tpu.memory_space<vmem>>, %arg6: memref<176xi32, #tpu.memory_space<vmem>>, %arg7: memref<160xi32, #tpu.memory_space<vmem>>, %arg8: memref<160xi32, #tpu.memory_space<vmem>>, %arg9: memref<176xi32, #tpu.memory_space<vmem>>, %arg10: memref<176xi32, #tpu.memory_space<vmem>>, %arg11: memref<160x128xf32, #tpu.memory_space<vmem>>, %arg12: memref<160x128xf32, #tpu.memory_space<vmem>>, %arg13: memref<160x64xf32, #tpu.memory_space<vmem>>, %arg14: memref<160x64xf32, #tpu.memory_space<vmem>>, %arg15: memref<!tpu.dma_semaphore, #tpu.memory_space<semaphore_mem>>, %arg16: memref<!tpu.dma_semaphore, #tpu.memory_space<semaphore_mem>>, %arg17: memref<!tpu.dma_semaphore, #tpu.memory_space<semaphore_mem>>, %arg18: memref<!tpu.dma_semaphore, #tpu.memory_space<semaphore_mem>>, %arg19: memref<!tpu.dma_semaphore, #tpu.memory_space<semaphore_mem>>) attributes {dimension_semantics = [#tpu.dimension_semantics<core_parallel>, #tpu.dimension_semantics<subcore_parallel>], iteration_bounds = array<i64: 2, 16>, scalar_prefetch = 0 : i64, scratch_operands = 15 : i64, tpu.core_type = #tpu.core_type<sc_vector_subcore>, window_params = [{transform_indices = #map}, {transform_indices = #map1}, {transform_indices = #map1}]} {
    %mul3A = arith.constant 2 : i32
    %mul3A_0 = arith.muli %arg1, %mul3A : i32
    %add3A = arith.addi %mul3A_0, %arg0 : i32
    %mul3A_1 = arith.constant 25600 : i32
    %mul3A_2 = arith.muli %add3A, %mul3A_1 : i32
    %multiple_of3A = tpu.assume_multiple %mul3A_2, 160 : i32
    %dma_start3A = arith.constant 0 : i32
    %dma_start3A_3 = tpu.memref_slice %arg5[%dma_start3A] : memref<176xi32, #tpu.memory_space<vmem>> -> memref<160xi32, #tpu.memory_space<vmem>>
    %dma_start3A_4 = tpu.memref_slice %arg2[%multiple_of3A] : memref<819200xi32, #tpu.memory_space<hbm>> -> memref<160xi32, #tpu.memory_space<hbm>>
    %dma_start3A_5 = arith.constant 0 : i32
    %dma_start3A_6 = tpu.memref_slice %arg5[%dma_start3A_5] : memref<176xi32, #tpu.memory_space<vmem>> -> memref<160xi32, #tpu.memory_space<vmem>>
    %dma_start3A_7 = tpu.memref_slice %arg2[%multiple_of3A] : memref<819200xi32, #tpu.memory_space<hbm>> -> memref<160xi32, #tpu.memory_space<hbm>>
    tpu.enqueue_dma source(%dma_start3A_7 : memref<160xi32, #tpu.memory_space<hbm>>) target(%dma_start3A_6 : memref<160xi32, #tpu.memory_space<vmem>>) target_semaphore(%arg15 : memref<!tpu.dma_semaphore, #tpu.memory_space<semaphore_mem>>)
    %add3A_8 = arith.constant 0 : i32
    %add3A_9 = arith.addi %mul3A_2, %add3A_8 : i32
    %multiple_of3A_10 = tpu.assume_multiple %add3A_9, 160 : i32
    %dma_wait3A = arith.constant 0 : i32
    %dma_wait3A_11 = tpu.memref_slice %arg5[%dma_wait3A] : memref<176xi32, #tpu.memory_space<vmem>> -> memref<160xi32, #tpu.memory_space<vmem>>
    %dma_wait3A_12 = tpu.memref_slice %arg2[%multiple_of3A_10] : memref<819200xi32, #tpu.memory_space<hbm>> -> memref<160xi32, #tpu.memory_space<hbm>>
    %dma_wait3A_13 = arith.constant 0 : i32
    %dma_wait3A_14 = tpu.memref_slice %arg5[%dma_wait3A_13] : memref<176xi32, #tpu.memory_space<vmem>> -> memref<160xi32, #tpu.memory_space<vmem>>
    %dma_wait3A_15 = tpu.memref_slice %arg2[%multiple_of3A_10] : memref<819200xi32, #tpu.memory_space<hbm>> -> memref<160xi32, #tpu.memory_space<hbm>>
    tpu.wait_dma2 semaphore(%arg15 : memref<!tpu.dma_semaphore, #tpu.memory_space<semaphore_mem>>) src(%dma_wait3A_15 : memref<160xi32, #tpu.memory_space<hbm>>) dst(%dma_wait3A_14 : memref<160xi32, #tpu.memory_space<vmem>>)
    %add3A_16 = arith.constant 160 : i32
    %add3A_17 = arith.addi %mul3A_2, %add3A_16 : i32
    %multiple_of3A_18 = tpu.assume_multiple %add3A_17, 160 : i32
    %dma_start3A_19 = arith.constant 0 : i32
    %dma_start3A_20 = tpu.memref_slice %arg6[%dma_start3A_19] : memref<176xi32, #tpu.memory_space<vmem>> -> memref<160xi32, #tpu.memory_space<vmem>>
    %dma_start3A_21 = tpu.memref_slice %arg2[%multiple_of3A_18] : memref<819200xi32, #tpu.memory_space<hbm>> -> memref<160xi32, #tpu.memory_space<hbm>>
    %dma_start3A_22 = arith.constant 0 : i32
    %dma_start3A_23 = tpu.memref_slice %arg6[%dma_start3A_22] : memref<176xi32, #tpu.memory_space<vmem>> -> memref<160xi32, #tpu.memory_space<vmem>>
    %dma_start3A_24 = tpu.memref_slice %arg2[%multiple_of3A_18] : memref<819200xi32, #tpu.memory_space<hbm>> -> memref<160xi32, #tpu.memory_space<hbm>>
    tpu.enqueue_dma source(%dma_start3A_24 : memref<160xi32, #tpu.memory_space<hbm>>) target(%dma_start3A_23 : memref<160xi32, #tpu.memory_space<vmem>>) target_semaphore(%arg15 : memref<!tpu.dma_semaphore, #tpu.memory_space<semaphore_mem>>)
    %get3A = arith.constant 0 : index
    %get3A_25 = tpu.vector_load %arg5[%get3A] {strides = array<i32>} : memref<176xi32, #tpu.memory_space<vmem>>, vector<16xi32>,
    %shift_right_logical3A = arith.constant 1 : i32
    %shift_right_logical3A_26 = vector.broadcast %shift_right_logical3A : i32 to vector<16xi32>
    %shift_right_logical3A_27 = arith.shrui %get3A_25, %shift_right_logical3A_26 : vector<16xi32>
    %swap3A = arith.constant 0 : index
    %swap3A_28 = tpu.vector_load %arg7[%swap3A] {strides = array<i32>} : memref<160xi32, #tpu.memory_space<vmem>>, vector<16xi32>,
    tpu.vector_store %arg7[%swap3A], %shift_right_logical3A_27 {strides = array<i32>} : memref<160xi32, #tpu.memory_space<vmem>>, vector<16xi32>,
    %and3A = arith.constant 1 : i32
    %and3A_29 = vector.broadcast %and3A : i32 to vector<16xi32>
    %and3A_30 = arith.andi %get3A_25, %and3A_29 : vector<16xi32>
    %mul3A_31 = arith.constant 64 : i32
    %mul3A_32 = vector.broadcast %mul3A_31 : i32 to vector<16xi32>
    %mul3A_33 = arith.muli %and3A_30, %mul3A_32 : vector<16xi32>
    %swap3A_34 = arith.constant 0 : index
    %swap3A_35 = tpu.vector_load %arg9[%swap3A_34] {strides = array<i32>} : memref<176xi32, #tpu.memory_space<vmem>>, vector<16xi32>,
    tpu.vector_store %arg9[%swap3A_34], %mul3A_33 {strides = array<i32>} : memref<176xi32, #tpu.memory_space<vmem>>, vector<16xi32>,
    %get3A_36 = arith.constant 16 : index
    %get3A_37 = tpu.vector_load %arg5[%get3A_36] {strides = array<i32>} : memref<176xi32, #tpu.memory_space<vmem>>, vector<16xi32>,
    %shift_right_logical3A_38 = arith.constant 1 : i32
    %shift_right_logical3A_39 = vector.broadcast %shift_right_logical3A_38 : i32 to vector<16xi32>
    %shift_right_logical3A_40 = arith.shrui %get3A_37, %shift_right_logical3A_39 : vector<16xi32>
    %swap3A_41 = arith.constant 16 : index
    %swap3A_42 = tpu.vector_load %arg7[%swap3A_41] {strides = array<i32>} : memref<160xi32, #tpu.memory_space<vmem>>, vector<16xi32>,
    tpu.vector_store %arg7[%swap3A_41], %shift_right_logical3A_40 {strides = array<i32>} : memref<160xi32, #tpu.memory_space<vmem>>, vector<16xi32>,
    %and3A_43 = arith.constant 1 : i32
    %and3A_44 = vector.broadcast %and3A_43 : i32 to vector<16xi32>
    %and3A_45 = arith.andi %get3A_37, %and3A_44 : vector<16xi32>
    %mul3A_46 = arith.constant 64 : i32
    %mul3A_47 = vector.broadcast %mul3A_46 : i32 to vector<16xi32>
    %mul3A_48 = arith.muli %and3A_45, %mul3A_47 : vector<16xi32>
    %swap3A_49 = arith.constant 16 : index
    %swap3A_50 = tpu.vector_load %arg9[%swap3A_49] {strides = array<i32>} : memref<176xi32, #tpu.memory_space<vmem>>, vector<16xi32>,
    tpu.vector_store %arg9[%swap3A_49], %mul3A_48 {strides = array<i32>} : memref<176xi32, #tpu.memory_space<vmem>>, vector<16xi32>,
    %get3A_51 = arith.constant 32 : index
    %get3A_52 = tpu.vector_load %arg5[%get3A_51] {strides = array<i32>} : memref<176xi32, #tpu.memory_space<vmem>>, vector<16xi32>,
    %shift_right_logical3A_53 = arith.constant 1 : i32
    %shift_right_logical3A_54 = vector.broadcast %shift_right_logical3A_53 : i32 to vector<16xi32>
    %shift_right_logical3A_55 = arith.shrui %get3A_52, %shift_right_logical3A_54 : vector<16xi32>
    %swap3A_56 = arith.constant 32 : index
    %swap3A_57 = tpu.vector_load %arg7[%swap3A_56] {strides = array<i32>} : memref<160xi32, #tpu.memory_space<vmem>>, vector<16xi32>,
    tpu.vector_store %arg7[%swap3A_56], %shift_right_logical3A_55 {strides = array<i32>} : memref<160xi32, #tpu.memory_space<vmem>>, vector<16xi32>,
    %and3A_58 = arith.constant 1 : i32
    %and3A_59 = vector.broadcast %and3A_58 : i32 to vector<16xi32>
    %and3A_60 = arith.andi %get3A_52, %and3A_59 : vector<16xi32>
    %mul3A_61 = arith.constant 64 : i32
    %mul3A_62 = vector.broadcast %mul3A_61 : i32 to vector<16xi32>
    %mul3A_63 = arith.muli %and3A_60, %mul3A_62 : vector<16xi32>
    %swap3A_64 = arith.constant 32 : index
    %swap3A_65 = tpu.vector_load %arg9[%swap3A_64] {strides = array<i32>} : memref<176xi32, #tpu.memory_space<vmem>>, vector<16xi32>,
    tpu.vector_store %arg9[%swap3A_64], %mul3A_63 {strides = array<i32>} : memref<176xi32, #tpu.memory_space<vmem>>, vector<16xi32>,
    %get3A_66 = arith.constant 48 : index
    %get3A_67 = tpu.vector_load %arg5[%get3A_66] {strides = array<i32>} : memref<176xi32, #tpu.memory_space<vmem>>, vector<16xi32>,
    %shift_right_logical3A_68 = arith.constant 1 : i32
    %shift_right_logical3A_69 = vector.broadcast %shift_right_logical3A_68 : i32 to vector<16xi32>
    %shift_right_logical3A_70 = arith.shrui %get3A_67, %shift_right_logical3A_69 : vector<16xi32>
    %swap3A_71 = arith.constant 48 : index
    %swap3A_72 = tpu.vector_load %arg7[%swap3A_71] {strides = array<i32>} : memref<160xi32, #tpu.memory_space<vmem>>, vector<16xi32>,
    tpu.vector_store %arg7[%swap3A_71], %shift_right_logical3A_70 {strides = array<i32>} : memref<160xi32, #tpu.memory_space<vmem>>, vector<16xi32>,
    %and3A_73 = arith.constant 1 : i32
    %and3A_74 = vector.broadcast %and3A_73 : i32 to vector<16xi32>
    %and3A_75 = arith.andi %get3A_67, %and3A_74 : vector<16xi32>
    %mul3A_76 = arith.constant 64 : i32
    %mul3A_77 = vector.broadcast %mul3A_76 : i32 to vector<16xi32>
    %mul3A_78 = arith.muli %and3A_75, %mul3A_77 : vector<16xi32>
    %swap3A_79 = arith.constant 48 : index
    %swap3A_80 = tpu.vector_load %arg9[%swap3A_79] {strides = array<i32>} : memref<176xi32, #tpu.memory_space<vmem>>, vector<16xi32>,
    tpu.vector_store %arg9[%swap3A_79], %mul3A_78 {strides = array<i32>} : memref<176xi32, #tpu.memory_space<vmem>>, vector<16xi32>,
    %get3A_81 = arith.constant 64 : index
    %get3A_82 = tpu.vector_load %arg5[%get3A_81] {strides = array<i32>} : memref<176xi32, #tpu.memory_space<vmem>>, vector<16xi32>,
    %shift_right_logical3A_83 = arith.constant 1 : i32
    %shift_right_logical3A_84 = vector.broadcast %shift_right_logical3A_83 : i32 to vector<16xi32>
    %shift_right_logical3A_85 = arith.shrui %get3A_82, %shift_right_logical3A_84 : vector<16xi32>
    %swap3A_86 = arith.constant 64 : index
    %swap3A_87 = tpu.vector_load %arg7[%swap3A_86] {strides = array<i32>} : memref<160xi32, #tpu.memory_space<vmem>>, vector<16xi32>,
    tpu.vector_store %arg7[%swap3A_86], %shift_right_logical3A_85 {strides = array<i32>} : memref<160xi32, #tpu.memory_space<vmem>>, vector<16xi32>,
    %and3A_88 = arith.constant 1 : i32
    %and3A_89 = vector.broadcast %and3A_88 : i32 to vector<16xi32>
    %and3A_90 = arith.andi %get3A_82, %and3A_89 : vector<16xi32>
    %mul3A_91 = arith.constant 64 : i32
    %mul3A_92 = vector.broadcast %mul3A_91 : i32 to vector<16xi32>
    %mul3A_93 = arith.muli %and3A_90, %mul3A_92 : vector<16xi32>
    %swap3A_94 = arith.constant 64 : index
    %swap3A_95 = tpu.vector_load %arg9[%swap3A_94] {strides = array<i32>} : memref<176xi32, #tpu.memory_space<vmem>>, vector<16xi32>,
    tpu.vector_store %arg9[%swap3A_94], %mul3A_93 {strides = array<i32>} : memref<176xi32, #tpu.memory_space<vmem>>, vector<16xi32>,
    %get3A_96 = arith.constant 80 : index
    %get3A_97 = tpu.vector_load %arg5[%get3A_96] {strides = array<i32>} : memref<176xi32, #tpu.memory_space<vmem>>, vector<16xi32>,
    %shift_right_logical3A_98 = arith.constant 1 : i32
    %shift_right_logical3A_99 = vector.broadcast %shift_right_logical3A_98 : i32 to vector<16xi32>
    %shift_right_logical3A_100 = arith.shrui %get3A_97, %shift_right_logical3A_99 : vector<16xi32>
    %swap3A_101 = arith.constant 80 : index
    %swap3A_102 = tpu.vector_load %arg7[%swap3A_101] {strides = array<i32>} : memref<160xi32, #tpu.memory_space<vmem>>, vector<16xi32>,
    tpu.vector_store %arg7[%swap3A_101], %shift_right_logical3A_100 {strides = array<i32>} : memref<160xi32, #tpu.memory_space<vmem>>, vector<16xi32>,
    %and3A_103 = arith.constant 1 : i32
    %and3A_104 = vector.broadcast %and3A_103 : i32 to vector<16xi32>
    %and3A_105 = arith.andi %get3A_97, %and3A_104 : vector<16xi32>
    %mul3A_106 = arith.constant 64 : i32
    %mul3A_107 = vector.broadcast %mul3A_106 : i32 to vector<16xi32>
    %mul3A_108 = arith.muli %and3A_105, %mul3A_107 : vector<16xi32>
    %swap3A_109 = arith.constant 80 : index
    %swap3A_110 = tpu.vector_load %arg9[%swap3A_109] {strides = array<i32>} : memref<176xi32, #tpu.memory_space<vmem>>, vector<16xi32>,
    tpu.vector_store %arg9[%swap3A_109], %mul3A_108 {strides = array<i32>} : memref<176xi32, #tpu.memory_space<vmem>>, vector<16xi32>,
    %get3A_111 = arith.constant 96 : index
    %get3A_112 = tpu.vector_load %arg5[%get3A_111] {strides = array<i32>} : memref<176xi32, #tpu.memory_space<vmem>>, vector<16xi32>,
    %shift_right_logical3A_113 = arith.constant 1 : i32
    %shift_right_logical3A_114 = vector.broadcast %shift_right_logical3A_113 : i32 to vector<16xi32>
    %shift_right_logical3A_115 = arith.shrui %get3A_112, %shift_right_logical3A_114 : vector<16xi32>
    %swap3A_116 = arith.constant 96 : index
    %swap3A_117 = tpu.vector_load %arg7[%swap3A_116] {strides = array<i32>} : memref<160xi32, #tpu.memory_space<vmem>>, vector<16xi32>,
    tpu.vector_store %arg7[%swap3A_116], %shift_right_logical3A_115 {strides = array<i32>} : memref<160xi32, #tpu.memory_space<vmem>>, vector<16xi32>,
    %and3A_118 = arith.constant 1 : i32
    %and3A_119 = vector.broadcast %and3A_118 : i32 to vector<16xi32>
    %and3A_120 = arith.andi %get3A_112, %and3A_119 : vector<16xi32>
    %mul3A_121 = arith.constant 64 : i32
    %mul3A_122 = vector.broadcast %mul3A_121 : i32 to vector<16xi32>
    %mul3A_123 = arith.muli %and3A_120, %mul3A_122 : vector<16xi32>
    %swap3A_124 = arith.constant 96 : index
    %swap3A_125 = tpu.vector_load %arg9[%swap3A_124] {strides = array<i32>} : memref<176xi32, #tpu.memory_space<vmem>>, vector<16xi32>,
    tpu.vector_store %arg9[%swap3A_124], %mul3A_123 {strides = array<i32>} : memref<176xi32, #tpu.memory_space<vmem>>, vector<16xi32>,
    %get3A_126 = arith.constant 112 : index
    %get3A_127 = tpu.vector_load %arg5[%get3A_126] {strides = array<i32>} : memref<176xi32, #tpu.memory_space<vmem>>, vector<16xi32>,
    %shift_right_logical3A_128 = arith.constant 1 : i32
    %shift_right_logical3A_129 = vector.broadcast %shift_right_logical3A_128 : i32 to vector<16xi32>
    %shift_right_logical3A_130 = arith.shrui %get3A_127, %shift_right_logical3A_129 : vector<16xi32>
    %swap3A_131 = arith.constant 112 : index
    %swap3A_132 = tpu.vector_load %arg7[%swap3A_131] {strides = array<i32>} : memref<160xi32, #tpu.memory_space<vmem>>, vector<16xi32>,
    tpu.vector_store %arg7[%swap3A_131], %shift_right_logical3A_130 {strides = array<i32>} : memref<160xi32, #tpu.memory_space<vmem>>, vector<16xi32>,
    %and3A_133 = arith.constant 1 : i32
    %and3A_134 = vector.broadcast %and3A_133 : i32 to vector<16xi32>
    %and3A_135 = arith.andi %get3A_127, %and3A_134 : vector<16xi32>
    %mul3A_136 = arith.constant 64 : i32
    %mul3A_137 = vector.broadcast %mul3A_136 : i32 to vector<16xi32>
    %mul3A_138 = arith.muli %and3A_135, %mul3A_137 : vector<16xi32>
    %swap3A_139 = arith.constant 112 : index
    %swap3A_140 = tpu.vector_load %arg9[%swap3A_139] {strides = array<i32>} : memref<176xi32, #tpu.memory_space<vmem>>, vector<16xi32>,
    tpu.vector_store %arg9[%swap3A_139], %mul3A_138 {strides = array<i32>} : memref<176xi32, #tpu.memory_space<vmem>>, vector<16xi32>,
    %get3A_141 = arith.constant 128 : index
    %get3A_142 = tpu.vector_load %arg5[%get3A_141] {strides = array<i32>} : memref<176xi32, #tpu.memory_space<vmem>>, vector<16xi32>,
    %shift_right_logical3A_143 = arith.constant 1 : i32
    %shift_right_logical3A_144 = vector.broadcast %shift_right_logical3A_143 : i32 to vector<16xi32>
    %shift_right_logical3A_145 = arith.shrui %get3A_142, %shift_right_logical3A_144 : vector<16xi32>
    %swap3A_146 = arith.constant 128 : index
    %swap3A_147 = tpu.vector_load %arg7[%swap3A_146] {strides = array<i32>} : memref<160xi32, #tpu.memory_space<vmem>>, vector<16xi32>,
    tpu.vector_store %arg7[%swap3A_146], %shift_right_logical3A_145 {strides = array<i32>} : memref<160xi32, #tpu.memory_space<vmem>>, vector<16xi32>,
    %and3A_148 = arith.constant 1 : i32
    %and3A_149 = vector.broadcast %and3A_148 : i32 to vector<16xi32>
    %and3A_150 = arith.andi %get3A_142, %and3A_149 : vector<16xi32>
    %mul3A_151 = arith.constant 64 : i32
    %mul3A_152 = vector.broadcast %mul3A_151 : i32 to vector<16xi32>
    %mul3A_153 = arith.muli %and3A_150, %mul3A_152 : vector<16xi32>
    %swap3A_154 = arith.constant 128 : index
    %swap3A_155 = tpu.vector_load %arg9[%swap3A_154] {strides = array<i32>} : memref<176xi32, #tpu.memory_space<vmem>>, vector<16xi32>,
    tpu.vector_store %arg9[%swap3A_154], %mul3A_153 {strides = array<i32>} : memref<176xi32, #tpu.memory_space<vmem>>, vector<16xi32>,
    %get3A_156 = arith.constant 144 : index
    %get3A_157 = tpu.vector_load %arg5[%get3A_156] {strides = array<i32>} : memref<176xi32, #tpu.memory_space<vmem>>, vector<16xi32>,
    %shift_right_logical3A_158 = arith.constant 1 : i32
    %shift_right_logical3A_159 = vector.broadcast %shift_right_logical3A_158 : i32 to vector<16xi32>
    %shift_right_logical3A_160 = arith.shrui %get3A_157, %shift_right_logical3A_159 : vector<16xi32>
    %swap3A_161 = arith.constant 144 : index
    %swap3A_162 = tpu.vector_load %arg7[%swap3A_161] {strides = array<i32>} : memref<160xi32, #tpu.memory_space<vmem>>, vector<16xi32>,
    tpu.vector_store %arg7[%swap3A_161], %shift_right_logical3A_160 {strides = array<i32>} : memref<160xi32, #tpu.memory_space<vmem>>, vector<16xi32>,
    %and3A_163 = arith.constant 1 : i32
    %and3A_164 = vector.broadcast %and3A_163 : i32 to vector<16xi32>
    %and3A_165 = arith.andi %get3A_157, %and3A_164 : vector<16xi32>
    %mul3A_166 = arith.constant 64 : i32
    %mul3A_167 = vector.broadcast %mul3A_166 : i32 to vector<16xi32>
    %mul3A_168 = arith.muli %and3A_165, %mul3A_167 : vector<16xi32>
    %swap3A_169 = arith.constant 144 : index
    %swap3A_170 = tpu.vector_load %arg9[%swap3A_169] {strides = array<i32>} : memref<176xi32, #tpu.memory_space<vmem>>, vector<16xi32>,
    tpu.vector_store %arg9[%swap3A_169], %mul3A_168 {strides = array<i32>} : memref<176xi32, #tpu.memory_space<vmem>>, vector<16xi32>,
    %dma_start3A_171 = arith.constant 0 : i32
    %dma_start3A_172 = arith.constant 0 : i32
    %dma_start3A_173 = tpu.memref_slice %arg11[%dma_start3A_171, %dma_start3A_172] : memref<160x128xf32, #tpu.memory_space<vmem>> -> memref<80x128xf32, #tpu.memory_space<vmem>>
    %dma_start3A_174 = arith.constant 0 : i32
    %dma_start3A_175 = tpu.memref_slice %arg7[%dma_start3A_174] : memref<160xi32, #tpu.memory_space<vmem>> -> memref<80xi32, #tpu.memory_space<vmem>>
    %dma_start3A_176 = arith.constant 0 : i32
    %dma_start3A_177 = arith.constant 0 : i32
    %dma_start3A_178 = tpu.memref_slice %arg3[%dma_start3A_176, %dma_start3A_177] : memref<500000x128xf32, #tpu.memory_space<hbm>> -> memref<500000x128xf32, #tpu.memory_space<hbm>>
    tpu.enqueue_indirect_dma source(%dma_start3A_178 : memref<500000x128xf32, #tpu.memory_space<hbm>>) target(%dma_start3A_173 : memref<80x128xf32, #tpu.memory_space<vmem>>) offsets(%dma_start3A_175 : memref<80xi32, #tpu.memory_space<vmem>>) semaphore(%arg16 : memref<!tpu.dma_semaphore, #tpu.memory_space<semaphore_mem>>)
    %dma_start3A_179 = arith.constant 80 : i32
    %dma_start3A_180 = arith.constant 0 : i32
    %dma_start3A_181 = tpu.memref_slice %arg11[%dma_start3A_179, %dma_start3A_180] : memref<160x128xf32, #tpu.memory_space<vmem>> -> memref<80x128xf32, #tpu.memory_space<vmem>>
    %dma_start3A_182 = arith.constant 80 : i32
    %dma_start3A_183 = tpu.memref_slice %arg7[%dma_start3A_182] : memref<160xi32, #tpu.memory_space<vmem>> -> memref<80xi32, #tpu.memory_space<vmem>>
    %dma_start3A_184 = arith.constant 0 : i32
    %dma_start3A_185 = arith.constant 0 : i32
    %dma_start3A_186 = tpu.memref_slice %arg3[%dma_start3A_184, %dma_start3A_185] : memref<500000x128xf32, #tpu.memory_space<hbm>> -> memref<500000x128xf32, #tpu.memory_space<hbm>>
    tpu.enqueue_indirect_dma source(%dma_start3A_186 : memref<500000x128xf32, #tpu.memory_space<hbm>>) target(%dma_start3A_181 : memref<80x128xf32, #tpu.memory_space<vmem>>) offsets(%dma_start3A_183 : memref<80xi32, #tpu.memory_space<vmem>>) semaphore(%arg16 : memref<!tpu.dma_semaphore, #tpu.memory_space<semaphore_mem>>)
    %scan3A = arith.constant 0 : i32
    %scan3A_187 = arith.constant 80 : i32
    %scan3A_188 = arith.addi %scan3A, %scan3A_187 : i32
    %scan3A_189 = arith.constant 1 : i32
    scf.for %scan3A_205 = %scan3A to %scan3A_188 step %scan3A_189  : i32 {
      %mul3A_206 = arith.constant 2 : i32
      %mul3A_207 = arith.muli %scan3A_205, %mul3A_206 : i32
      %add3A_208 = arith.constant 1 : i32
      %add3A_209 = arith.addi %mul3A_207, %add3A_208 : i32
      %mul3A_210 = arith.constant 160 : i32
      %mul3A_211 = arith.muli %add3A_209, %mul3A_210 : i32
      %add3A_212 = arith.addi %mul3A_2, %mul3A_211 : i32
      %multiple_of3A_213 = tpu.assume_multiple %add3A_212, 160 : i32
      %dma_wait3A_214 = arith.constant 0 : i32
      %dma_wait3A_215 = tpu.memref_slice %arg6[%dma_wait3A_214] : memref<176xi32, #tpu.memory_space<vmem>> -> memref<160xi32, #tpu.memory_space<vmem>>
      %dma_wait3A_216 = tpu.memref_slice %arg2[%multiple_of3A_213] : memref<819200xi32, #tpu.memory_space<hbm>> -> memref<160xi32, #tpu.memory_space<hbm>>
      %dma_wait3A_217 = arith.constant 0 : i32
      %dma_wait3A_218 = tpu.memref_slice %arg6[%dma_wait3A_217] : memref<176xi32, #tpu.memory_space<vmem>> -> memref<160xi32, #tpu.memory_space<vmem>>
      %dma_wait3A_219 = tpu.memref_slice %arg2[%multiple_of3A_213] : memref<819200xi32, #tpu.memory_space<hbm>> -> memref<160xi32, #tpu.memory_space<hbm>>
      tpu.wait_dma2 semaphore(%arg15 : memref<!tpu.dma_semaphore, #tpu.memory_space<semaphore_mem>>) src(%dma_wait3A_219 : memref<160xi32, #tpu.memory_space<hbm>>) dst(%dma_wait3A_218 : memref<160xi32, #tpu.memory_space<vmem>>)
      %add3A_220 = arith.constant 1 : i32
      %add3A_221 = arith.addi %add3A_209, %add3A_220 : i32
      %lt3A = arith.constant 160 : i32
      %lt3A_222 = arith.cmpi slt, %add3A_221, %lt3A : i32
      %convert_element_type3A = arith.extui %lt3A_222 : i1 to i32
      %cond3A = arith.constant 0 : i32
      %cond3A_223 = arith.cmpi ne, %convert_element_type3A, %cond3A : i32
      scf.if %cond3A_223 {
        %add3A_461 = arith.constant 1 : i32
        %add3A_462 = arith.addi %add3A_209, %add3A_461 : i32
        %mul3A_463 = arith.constant 160 : i32
        %mul3A_464 = arith.muli %add3A_462, %mul3A_463 : i32
        %add3A_465 = arith.addi %mul3A_2, %mul3A_464 : i32
        %multiple_of3A_466 = tpu.assume_multiple %add3A_465, 160 : i32
        %dma_start3A_467 = arith.constant 0 : i32
        %dma_start3A_468 = tpu.memref_slice %arg5[%dma_start3A_467] : memref<176xi32, #tpu.memory_space<vmem>> -> memref<160xi32, #tpu.memory_space<vmem>>
        %dma_start3A_469 = tpu.memref_slice %arg2[%multiple_of3A_466] : memref<819200xi32, #tpu.memory_space<hbm>> -> memref<160xi32, #tpu.memory_space<hbm>>
        %dma_start3A_470 = arith.constant 0 : i32
        %dma_start3A_471 = tpu.memref_slice %arg5[%dma_start3A_470] : memref<176xi32, #tpu.memory_space<vmem>> -> memref<160xi32, #tpu.memory_space<vmem>>
        %dma_start3A_472 = tpu.memref_slice %arg2[%multiple_of3A_466] : memref<819200xi32, #tpu.memory_space<hbm>> -> memref<160xi32, #tpu.memory_space<hbm>>
        tpu.enqueue_dma source(%dma_start3A_472 : memref<160xi32, #tpu.memory_space<hbm>>) target(%dma_start3A_471 : memref<160xi32, #tpu.memory_space<vmem>>) target_semaphore(%arg15 : memref<!tpu.dma_semaphore, #tpu.memory_space<semaphore_mem>>)
      } else {
      }
      %get3A_224 = arith.constant 0 : index
      %get3A_225 = tpu.vector_load %arg6[%get3A_224] {strides = array<i32>} : memref<176xi32, #tpu.memory_space<vmem>>, vector<16xi32>,
      %shift_right_logical3A_226 = arith.constant 1 : i32
      %shift_right_logical3A_227 = vector.broadcast %shift_right_logical3A_226 : i32 to vector<16xi32>
      %shift_right_logical3A_228 = arith.shrui %get3A_225, %shift_right_logical3A_227 : vector<16xi32>
      %swap3A_229 = arith.constant 0 : index
      %swap3A_230 = tpu.vector_load %arg8[%swap3A_229] {strides = array<i32>} : memref<160xi32, #tpu.memory_space<vmem>>, vector<16xi32>,
      tpu.vector_store %arg8[%swap3A_229], %shift_right_logical3A_228 {strides = array<i32>} : memref<160xi32, #tpu.memory_space<vmem>>, vector<16xi32>,
      %and3A_231 = arith.constant 1 : i32
      %and3A_232 = vector.broadcast %and3A_231 : i32 to vector<16xi32>
      %and3A_233 = arith.andi %get3A_225, %and3A_232 : vector<16xi32>
      %mul3A_234 = arith.constant 64 : i32
      %mul3A_235 = vector.broadcast %mul3A_234 : i32 to vector<16xi32>
      %mul3A_236 = arith.muli %and3A_233, %mul3A_235 : vector<16xi32>
      %swap3A_237 = arith.constant 0 : index
      %swap3A_238 = tpu.vector_load %arg10[%swap3A_237] {strides = array<i32>} : memref<176xi32, #tpu.memory_space<vmem>>, vector<16xi32>,
      tpu.vector_store %arg10[%swap3A_237], %mul3A_236 {strides = array<i32>} : memref<176xi32, #tpu.memory_space<vmem>>, vector<16xi32>,
      %get3A_239 = arith.constant 16 : index
      %get3A_240 = tpu.vector_load %arg6[%get3A_239] {strides = array<i32>} : memref<176xi32, #tpu.memory_space<vmem>>, vector<16xi32>,
      %shift_right_logical3A_241 = arith.constant 1 : i32
      %shift_right_logical3A_242 = vector.broadcast %shift_right_logical3A_241 : i32 to vector<16xi32>
      %shift_right_logical3A_243 = arith.shrui %get3A_240, %shift_right_logical3A_242 : vector<16xi32>
      %swap3A_244 = arith.constant 16 : index
      %swap3A_245 = tpu.vector_load %arg8[%swap3A_244] {strides = array<i32>} : memref<160xi32, #tpu.memory_space<vmem>>, vector<16xi32>,
      tpu.vector_store %arg8[%swap3A_244], %shift_right_logical3A_243 {strides = array<i32>} : memref<160xi32, #tpu.memory_space<vmem>>, vector<16xi32>,
      %and3A_246 = arith.constant 1 : i32
      %and3A_247 = vector.broadcast %and3A_246 : i32 to vector<16xi32>
      %and3A_248 = arith.andi %get3A_240, %and3A_247 : vector<16xi32>
      %mul3A_249 = arith.constant 64 : i32
      %mul3A_250 = vector.broadcast %mul3A_249 : i32 to vector<16xi32>
      %mul3A_251 = arith.muli %and3A_248, %mul3A_250 : vector<16xi32>
      %swap3A_252 = arith.constant 16 : index
      %swap3A_253 = tpu.vector_load %arg10[%swap3A_252] {strides = array<i32>} : memref<176xi32, #tpu.memory_space<vmem>>, vector<16xi32>,
      tpu.vector_store %arg10[%swap3A_252], %mul3A_251 {strides = array<i32>} : memref<176xi32, #tpu.memory_space<vmem>>, vector<16xi32>,
      %get3A_254 = arith.constant 32 : index
      %get3A_255 = tpu.vector_load %arg6[%get3A_254] {strides = array<i32>} : memref<176xi32, #tpu.memory_space<vmem>>, vector<16xi32>,
      %shift_right_logical3A_256 = arith.constant 1 : i32
      %shift_right_logical3A_257 = vector.broadcast %shift_right_logical3A_256 : i32 to vector<16xi32>
      %shift_right_logical3A_258 = arith.shrui %get3A_255, %shift_right_logical3A_257 : vector<16xi32>
      %swap3A_259 = arith.constant 32 : index
      %swap3A_260 = tpu.vector_load %arg8[%swap3A_259] {strides = array<i32>} : memref<160xi32, #tpu.memory_space<vmem>>, vector<16xi32>,
      tpu.vector_store %arg8[%swap3A_259], %shift_right_logical3A_258 {strides = array<i32>} : memref<160xi32, #tpu.memory_space<vmem>>, vector<16xi32>,
      %and3A_261 = arith.constant 1 : i32
      %and3A_262 = vector.broadcast %and3A_261 : i32 to vector<16xi32>
      %and3A_263 = arith.andi %get3A_255, %and3A_262 : vector<16xi32>
      %mul3A_264 = arith.constant 64 : i32
      %mul3A_265 = vector.broadcast %mul3A_264 : i32 to vector<16xi32>
      %mul3A_266 = arith.muli %and3A_263, %mul3A_265 : vector<16xi32>
      %swap3A_267 = arith.constant 32 : index
      %swap3A_268 = tpu.vector_load %arg10[%swap3A_267] {strides = array<i32>} : memref<176xi32, #tpu.memory_space<vmem>>, vector<16xi32>,
      tpu.vector_store %arg10[%swap3A_267], %mul3A_266 {strides = array<i32>} : memref<176xi32, #tpu.memory_space<vmem>>, vector<16xi32>,
      %get3A_269 = arith.constant 48 : index
      %get3A_270 = tpu.vector_load %arg6[%get3A_269] {strides = array<i32>} : memref<176xi32, #tpu.memory_space<vmem>>, vector<16xi32>,
      %shift_right_logical3A_271 = arith.constant 1 : i32
      %shift_right_logical3A_272 = vector.broadcast %shift_right_logical3A_271 : i32 to vector<16xi32>
      %shift_right_logical3A_273 = arith.shrui %get3A_270, %shift_right_logical3A_272 : vector<16xi32>
      %swap3A_274 = arith.constant 48 : index
      %swap3A_275 = tpu.vector_load %arg8[%swap3A_274] {strides = array<i32>} : memref<160xi32, #tpu.memory_space<vmem>>, vector<16xi32>,
      tpu.vector_store %arg8[%swap3A_274], %shift_right_logical3A_273 {strides = array<i32>} : memref<160xi32, #tpu.memory_space<vmem>>, vector<16xi32>,
      %and3A_276 = arith.constant 1 : i32
      %and3A_277 = vector.broadcast %and3A_276 : i32 to vector<16xi32>
      %and3A_278 = arith.andi %get3A_270, %and3A_277 : vector<16xi32>
      %mul3A_279 = arith.constant 64 : i32
      %mul3A_280 = vector.broadcast %mul3A_279 : i32 to vector<16xi32>
      %mul3A_281 = arith.muli %and3A_278, %mul3A_280 : vector<16xi32>
      %swap3A_282 = arith.constant 48 : index
      %swap3A_283 = tpu.vector_load %arg10[%swap3A_282] {strides = array<i32>} : memref<176xi32, #tpu.memory_space<vmem>>, vector<16xi32>,
      tpu.vector_store %arg10[%swap3A_282], %mul3A_281 {strides = array<i32>} : memref<176xi32, #tpu.memory_space<vmem>>, vector<16xi32>,
      %get3A_284 = arith.constant 64 : index
      %get3A_285 = tpu.vector_load %arg6[%get3A_284] {strides = array<i32>} : memref<176xi32, #tpu.memory_space<vmem>>, vector<16xi32>,
      %shift_right_logical3A_286 = arith.constant 1 : i32
      %shift_right_logical3A_287 = vector.broadcast %shift_right_logical3A_286 : i32 to vector<16xi32>
      %shift_right_logical3A_288 = arith.shrui %get3A_285, %shift_right_logical3A_287 : vector<16xi32>
      %swap3A_289 = arith.constant 64 : index
      %swap3A_290 = tpu.vector_load %arg8[%swap3A_289] {strides = array<i32>} : memref<160xi32, #tpu.memory_space<vmem>>, vector<16xi32>,
      tpu.vector_store %arg8[%swap3A_289], %shift_right_logical3A_288 {strides = array<i32>} : memref<160xi32, #tpu.memory_space<vmem>>, vector<16xi32>,
      %and3A_291 = arith.constant 1 : i32
      %and3A_292 = vector.broadcast %and3A_291 : i32 to vector<16xi32>
      %and3A_293 = arith.andi %get3A_285, %and3A_292 : vector<16xi32>
      %mul3A_294 = arith.constant 64 : i32
      %mul3A_295 = vector.broadcast %mul3A_294 : i32 to vector<16xi32>
      %mul3A_296 = arith.muli %and3A_293, %mul3A_295 : vector<16xi32>
      %swap3A_297 = arith.constant 64 : index
      %swap3A_298 = tpu.vector_load %arg10[%swap3A_297] {strides = array<i32>} : memref<176xi32, #tpu.memory_space<vmem>>, vector<16xi32>,
      tpu.vector_store %arg10[%swap3A_297], %mul3A_296 {strides = array<i32>} : memref<176xi32, #tpu.memory_space<vmem>>, vector<16xi32>,
      %get3A_299 = arith.constant 80 : index
      %get3A_300 = tpu.vector_load %arg6[%get3A_299] {strides = array<i32>} : memref<176xi32, #tpu.memory_space<vmem>>, vector<16xi32>,
      %shift_right_logical3A_301 = arith.constant 1 : i32
      %shift_right_logical3A_302 = vector.broadcast %shift_right_logical3A_301 : i32 to vector<16xi32>
      %shift_right_logical3A_303 = arith.shrui %get3A_300, %shift_right_logical3A_302 : vector<16xi32>
      %swap3A_304 = arith.constant 80 : index
      %swap3A_305 = tpu.vector_load %arg8[%swap3A_304] {strides = array<i32>} : memref<160xi32, #tpu.memory_space<vmem>>, vector<16xi32>,
      tpu.vector_store %arg8[%swap3A_304], %shift_right_logical3A_303 {strides = array<i32>} : memref<160xi32, #tpu.memory_space<vmem>>, vector<16xi32>,
      %and3A_306 = arith.constant 1 : i32
      %and3A_307 = vector.broadcast %and3A_306 : i32 to vector<16xi32>
      %and3A_308 = arith.andi %get3A_300, %and3A_307 : vector<16xi32>
      %mul3A_309 = arith.constant 64 : i32
      %mul3A_310 = vector.broadcast %mul3A_309 : i32 to vector<16xi32>
      %mul3A_311 = arith.muli %and3A_308, %mul3A_310 : vector<16xi32>
      %swap3A_312 = arith.constant 80 : index
      %swap3A_313 = tpu.vector_load %arg10[%swap3A_312] {strides = array<i32>} : memref<176xi32, #tpu.memory_space<vmem>>, vector<16xi32>,
      tpu.vector_store %arg10[%swap3A_312], %mul3A_311 {strides = array<i32>} : memref<176xi32, #tpu.memory_space<vmem>>, vector<16xi32>,
      %get3A_314 = arith.constant 96 : index
      %get3A_315 = tpu.vector_load %arg6[%get3A_314] {strides = array<i32>} : memref<176xi32, #tpu.memory_space<vmem>>, vector<16xi32>,
      %shift_right_logical3A_316 = arith.constant 1 : i32
      %shift_right_logical3A_317 = vector.broadcast %shift_right_logical3A_316 : i32 to vector<16xi32>
      %shift_right_logical3A_318 = arith.shrui %get3A_315, %shift_right_logical3A_317 : vector<16xi32>
      %swap3A_319 = arith.constant 96 : index
      %swap3A_320 = tpu.vector_load %arg8[%swap3A_319] {strides = array<i32>} : memref<160xi32, #tpu.memory_space<vmem>>, vector<16xi32>,
      tpu.vector_store %arg8[%swap3A_319], %shift_right_logical3A_318 {strides = array<i32>} : memref<160xi32, #tpu.memory_space<vmem>>, vector<16xi32>,
      %and3A_321 = arith.constant 1 : i32
      %and3A_322 = vector.broadcast %and3A_321 : i32 to vector<16xi32>
      %and3A_323 = arith.andi %get3A_315, %and3A_322 : vector<16xi32>
      %mul3A_324 = arith.constant 64 : i32
      %mul3A_325 = vector.broadcast %mul3A_324 : i32 to vector<16xi32>
      %mul3A_326 = arith.muli %and3A_323, %mul3A_325 : vector<16xi32>
      %swap3A_327 = arith.constant 96 : index
      %swap3A_328 = tpu.vector_load %arg10[%swap3A_327] {strides = array<i32>} : memref<176xi32, #tpu.memory_space<vmem>>, vector<16xi32>,
      tpu.vector_store %arg10[%swap3A_327], %mul3A_326 {strides = array<i32>} : memref<176xi32, #tpu.memory_space<vmem>>, vector<16xi32>,
      %get3A_329 = arith.constant 112 : index
      %get3A_330 = tpu.vector_load %arg6[%get3A_329] {strides = array<i32>} : memref<176xi32, #tpu.memory_space<vmem>>, vector<16xi32>,
      %shift_right_logical3A_331 = arith.constant 1 : i32
      %shift_right_logical3A_332 = vector.broadcast %shift_right_logical3A_331 : i32 to vector<16xi32>
      %shift_right_logical3A_333 = arith.shrui %get3A_330, %shift_right_logical3A_332 : vector<16xi32>
      %swap3A_334 = arith.constant 112 : index
      %swap3A_335 = tpu.vector_load %arg8[%swap3A_334] {strides = array<i32>} : memref<160xi32, #tpu.memory_space<vmem>>, vector<16xi32>,
      tpu.vector_store %arg8[%swap3A_334], %shift_right_logical3A_333 {strides = array<i32>} : memref<160xi32, #tpu.memory_space<vmem>>, vector<16xi32>,
      %and3A_336 = arith.constant 1 : i32
      %and3A_337 = vector.broadcast %and3A_336 : i32 to vector<16xi32>
      %and3A_338 = arith.andi %get3A_330, %and3A_337 : vector<16xi32>
      %mul3A_339 = arith.constant 64 : i32
      %mul3A_340 = vector.broadcast %mul3A_339 : i32 to vector<16xi32>
      %mul3A_341 = arith.muli %and3A_338, %mul3A_340 : vector<16xi32>
      %swap3A_342 = arith.constant 112 : index
      %swap3A_343 = tpu.vector_load %arg10[%swap3A_342] {strides = array<i32>} : memref<176xi32, #tpu.memory_space<vmem>>, vector<16xi32>,
      tpu.vector_store %arg10[%swap3A_342], %mul3A_341 {strides = array<i32>} : memref<176xi32, #tpu.memory_space<vmem>>, vector<16xi32>,
      %get3A_344 = arith.constant 128 : index
      %get3A_345 = tpu.vector_load %arg6[%get3A_344] {strides = array<i32>} : memref<176xi32, #tpu.memory_space<vmem>>, vector<16xi32>,
      %shift_right_logical3A_346 = arith.constant 1 : i32
      %shift_right_logical3A_347 = vector.broadcast %shift_right_logical3A_346 : i32 to vector<16xi32>
      %shift_right_logical3A_348 = arith.shrui %get3A_345, %shift_right_logical3A_347 : vector<16xi32>
      %swap3A_349 = arith.constant 128 : index
      %swap3A_350 = tpu.vector_load %arg8[%swap3A_349] {strides = array<i32>} : memref<160xi32, #tpu.memory_space<vmem>>, vector<16xi32>,
      tpu.vector_store %arg8[%swap3A_349], %shift_right_logical3A_348 {strides = array<i32>} : memref<160xi32, #tpu.memory_space<vmem>>, vector<16xi32>,
      %and3A_351 = arith.constant 1 : i32
      %and3A_352 = vector.broadcast %and3A_351 : i32 to vector<16xi32>
      %and3A_353 = arith.andi %get3A_345, %and3A_352 : vector<16xi32>
      %mul3A_354 = arith.constant 64 : i32
      %mul3A_355 = vector.broadcast %mul3A_354 : i32 to vector<16xi32>
      %mul3A_356 = arith.muli %and3A_353, %mul3A_355 : vector<16xi32>
      %swap3A_357 = arith.constant 128 : index
      %swap3A_358 = tpu.vector_load %arg10[%swap3A_357] {strides = array<i32>} : memref<176xi32, #tpu.memory_space<vmem>>, vector<16xi32>,
      tpu.vector_store %arg10[%swap3A_357], %mul3A_356 {strides = array<i32>} : memref<176xi32, #tpu.memory_space<vmem>>, vector<16xi32>,
      %get3A_359 = arith.constant 144 : index
      %get3A_360 = tpu.vector_load %arg6[%get3A_359] {strides = array<i32>} : memref<176xi32, #tpu.memory_space<vmem>>, vector<16xi32>,
      %shift_right_logical3A_361 = arith.constant 1 : i32
      %shift_right_logical3A_362 = vector.broadcast %shift_right_logical3A_361 : i32 to vector<16xi32>
      %shift_right_logical3A_363 = arith.shrui %get3A_360, %shift_right_logical3A_362 : vector<16xi32>
      %swap3A_364 = arith.constant 144 : index
      %swap3A_365 = tpu.vector_load %arg8[%swap3A_364] {strides = array<i32>} : memref<160xi32, #tpu.memory_space<vmem>>, vector<16xi32>,
      tpu.vector_store %arg8[%swap3A_364], %shift_right_logical3A_363 {strides = array<i32>} : memref<160xi32, #tpu.memory_space<vmem>>, vector<16xi32>,
      %and3A_366 = arith.constant 1 : i32
      %and3A_367 = vector.broadcast %and3A_366 : i32 to vector<16xi32>
      %and3A_368 = arith.andi %get3A_360, %and3A_367 : vector<16xi32>
      %mul3A_369 = arith.constant 64 : i32
      %mul3A_370 = vector.broadcast %mul3A_369 : i32 to vector<16xi32>
      %mul3A_371 = arith.muli %and3A_368, %mul3A_370 : vector<16xi32>
      %swap3A_372 = arith.constant 144 : index
      %swap3A_373 = tpu.vector_load %arg10[%swap3A_372] {strides = array<i32>} : memref<176xi32, #tpu.memory_space<vmem>>, vector<16xi32>,
      tpu.vector_store %arg10[%swap3A_372], %mul3A_371 {strides = array<i32>} : memref<176xi32, #tpu.memory_space<vmem>>, vector<16xi32>,
      %dma_start3A_374 = arith.constant 0 : i32
      %dma_start3A_375 = arith.constant 0 : i32
      %dma_start3A_376 = tpu.memref_slice %arg12[%dma_start3A_374, %dma_start3A_375] : memref<160x128xf32, #tpu.memory_space<vmem>> -> memref<80x128xf32, #tpu.memory_space<vmem>>
      %dma_start3A_377 = arith.constant 0 : i32
      %dma_start3A_378 = tpu.memref_slice %arg8[%dma_start3A_377] : memref<160xi32, #tpu.memory_space<vmem>> -> memref<80xi32, #tpu.memory_space<vmem>>
      %dma_start3A_379 = arith.constant 0 : i32
      %dma_start3A_380 = arith.constant 0 : i32
      %dma_start3A_381 = tpu.memref_slice %arg3[%dma_start3A_379, %dma_start3A_380] : memref<500000x128xf32, #tpu.memory_space<hbm>> -> memref<500000x128xf32, #tpu.memory_space<hbm>>
      tpu.enqueue_indirect_dma source(%dma_start3A_381 : memref<500000x128xf32, #tpu.memory_space<hbm>>) target(%dma_start3A_376 : memref<80x128xf32, #tpu.memory_space<vmem>>) offsets(%dma_start3A_378 : memref<80xi32, #tpu.memory_space<vmem>>) semaphore(%arg17 : memref<!tpu.dma_semaphore, #tpu.memory_space<semaphore_mem>>)
      %dma_start3A_382 = arith.constant 80 : i32
      %dma_start3A_383 = arith.constant 0 : i32
      %dma_start3A_384 = tpu.memref_slice %arg12[%dma_start3A_382, %dma_start3A_383] : memref<160x128xf32, #tpu.memory_space<vmem>> -> memref<80x128xf32, #tpu.memory_space<vmem>>
      %dma_start3A_385 = arith.constant 80 : i32
      %dma_start3A_386 = tpu.memref_slice %arg8[%dma_start3A_385] : memref<160xi32, #tpu.memory_space<vmem>> -> memref<80xi32, #tpu.memory_space<vmem>>
      %dma_start3A_387 = arith.constant 0 : i32
      %dma_start3A_388 = arith.constant 0 : i32
      %dma_start3A_389 = tpu.memref_slice %arg3[%dma_start3A_387, %dma_start3A_388] : memref<500000x128xf32, #tpu.memory_space<hbm>> -> memref<500000x128xf32, #tpu.memory_space<hbm>>
      tpu.enqueue_indirect_dma source(%dma_start3A_389 : memref<500000x128xf32, #tpu.memory_space<hbm>>) target(%dma_start3A_384 : memref<80x128xf32, #tpu.memory_space<vmem>>) offsets(%dma_start3A_386 : memref<80xi32, #tpu.memory_space<vmem>>) semaphore(%arg17 : memref<!tpu.dma_semaphore, #tpu.memory_space<semaphore_mem>>)
      %mul3A_390 = arith.constant 160 : i32
      %mul3A_391 = arith.muli %mul3A_207, %mul3A_390 : i32
      %add3A_392 = arith.addi %mul3A_2, %mul3A_391 : i32
      %multiple_of3A_393 = tpu.assume_multiple %add3A_392, 160 : i32
      %dma_wait3A_394 = arith.constant 0 : i32
      %dma_wait3A_395 = arith.constant 0 : i32
      %dma_wait3A_396 = tpu.memref_slice %arg11[%dma_wait3A_394, %dma_wait3A_395] : memref<160x128xf32, #tpu.memory_space<vmem>> -> memref<80x128xf32, #tpu.memory_space<vmem>>
      %dma_wait3A_397 = arith.constant 0 : i32
      %dma_wait3A_398 = tpu.memref_slice %arg7[%dma_wait3A_397] : memref<160xi32, #tpu.memory_space<vmem>> -> memref<80xi32, #tpu.memory_space<vmem>>
      %dma_wait3A_399 = arith.constant 0 : i32
      %dma_wait3A_400 = arith.constant 0 : i32
      %dma_wait3A_401 = tpu.memref_slice %arg3[%dma_wait3A_399, %dma_wait3A_400] : memref<500000x128xf32, #tpu.memory_space<hbm>> -> memref<500000x128xf32, #tpu.memory_space<hbm>>
      tpu.wait_indirect_dma semaphore(%arg16 : memref<!tpu.dma_semaphore, #tpu.memory_space<semaphore_mem>>) src(%dma_wait3A_401 : memref<500000x128xf32, #tpu.memory_space<hbm>>) dst(%dma_wait3A_396 : memref<80x128xf32, #tpu.memory_space<vmem>>)
      %dma_wait3A_402 = arith.constant 80 : i32
      %dma_wait3A_403 = arith.constant 0 : i32
      %dma_wait3A_404 = tpu.memref_slice %arg11[%dma_wait3A_402, %dma_wait3A_403] : memref<160x128xf32, #tpu.memory_space<vmem>> -> memref<80x128xf32, #tpu.memory_space<vmem>>
      %dma_wait3A_405 = arith.constant 80 : i32
      %dma_wait3A_406 = tpu.memref_slice %arg7[%dma_wait3A_405] : memref<160xi32, #tpu.memory_space<vmem>> -> memref<80xi32, #tpu.memory_space<vmem>>
      %dma_wait3A_407 = arith.constant 0 : i32
      %dma_wait3A_408 = arith.constant 0 : i32
      %dma_wait3A_409 = tpu.memref_slice %arg3[%dma_wait3A_407, %dma_wait3A_408] : memref<500000x128xf32, #tpu.memory_space<hbm>> -> memref<500000x128xf32, #tpu.memory_space<hbm>>
      tpu.wait_indirect_dma semaphore(%arg16 : memref<!tpu.dma_semaphore, #tpu.memory_space<semaphore_mem>>) src(%dma_wait3A_409 : memref<500000x128xf32, #tpu.memory_space<hbm>>) dst(%dma_wait3A_404 : memref<80x128xf32, #tpu.memory_space<vmem>>)
      %ge3A = arith.constant 2 : i32
      %ge3A_410 = arith.cmpi sge, %mul3A_207, %ge3A : i32
      %convert_element_type3A_411 = arith.extui %ge3A_410 : i1 to i32
      %cond3A_412 = arith.constant 0 : i32
      %cond3A_413 = arith.cmpi ne, %convert_element_type3A_411, %cond3A_412 : i32
      scf.if %cond3A_413 {
        %dma_wait3A_461 = arith.constant 0 : i32
        %dma_wait3A_462 = tpu.memref_slice %arg4[%multiple_of3A_393, %dma_wait3A_461] : memref<819200x64xf32, #tpu.memory_space<hbm>> -> memref<160x64xf32, #tpu.memory_space<hbm>>
        %dma_wait3A_463 = arith.constant 0 : i32
        %dma_wait3A_464 = tpu.memref_slice %arg4[%multiple_of3A_393, %dma_wait3A_463] : memref<819200x64xf32, #tpu.memory_space<hbm>> -> memref<160x64xf32, #tpu.memory_space<hbm>>
        tpu.wait_dma2 semaphore(%arg18 : memref<!tpu.dma_semaphore, #tpu.memory_space<semaphore_mem>>) src(%arg13 : memref<160x64xf32, #tpu.memory_space<vmem>>) dst(%dma_wait3A_464 : memref<160x64xf32, #tpu.memory_space<hbm>>)
      } else {
      }
      %parallel_loop3A = arith.constant 0 : i32
      %parallel_loop3A_414 = arith.constant 160 : i32
      %parallel_loop3A_415 = arith.constant 1 : i32
      scf.for %parallel_loop3A_461 = %parallel_loop3A to %parallel_loop3A_414 step %parallel_loop3A_415  : i32 {
        %parallel_loop3A_462 = arith.index_cast %parallel_loop3A_461 : i32 to index
        %parallel_loop3A_463 = tpu.vector_load %arg9[%parallel_loop3A_462] {strides = array<i32>} : memref<176xi32, #tpu.memory_space<vmem>>, vector<16xi32>,
        %parallel_loop3A_464 = vector.extract_strided_slice %parallel_loop3A_463 {offsets = [0], sizes = [1], strides = [1]} : vector<16xi32> to vector<1xi32>
        %parallel_loop3A_465 = vector.extract %parallel_loop3A_464[0] : i32 from vector<1xi32>
        %parallel_loop3A_466 = arith.constant 0 : i32
        %parallel_loop3A_467 = arith.addi %parallel_loop3A_465, %parallel_loop3A_466 : i32
        %parallel_loop3A_468 = arith.index_cast %parallel_loop3A_461 : i32 to index
        %parallel_loop3A_469 = arith.index_cast %parallel_loop3A_467 : i32 to index
        %parallel_loop3A_470 = tpu.vector_load %arg11[%parallel_loop3A_468, %parallel_loop3A_469] {strides = array<i32>} : memref<160x128xf32, #tpu.memory_space<vmem>>, vector<16xf32>,
        %parallel_loop3A_471 = arith.index_cast %parallel_loop3A_461 : i32 to index
        %parallel_loop3A_472 = arith.constant 0 : index
        %parallel_loop3A_473 = tpu.vector_load %arg13[%parallel_loop3A_471, %parallel_loop3A_472] {strides = array<i32>} : memref<160x64xf32, #tpu.memory_space<vmem>>, vector<16xf32>,
        tpu.vector_store %arg13[%parallel_loop3A_471, %parallel_loop3A_472], %parallel_loop3A_470 {strides = array<i32>} : memref<160x64xf32, #tpu.memory_space<vmem>>, vector<16xf32>,
        %parallel_loop3A_474 = arith.constant 16 : i32
        %parallel_loop3A_475 = arith.addi %parallel_loop3A_465, %parallel_loop3A_474 : i32
        %parallel_loop3A_476 = arith.index_cast %parallel_loop3A_461 : i32 to index
        %parallel_loop3A_477 = arith.index_cast %parallel_loop3A_475 : i32 to index
        %parallel_loop3A_478 = tpu.vector_load %arg11[%parallel_loop3A_476, %parallel_loop3A_477] {strides = array<i32>} : memref<160x128xf32, #tpu.memory_space<vmem>>, vector<16xf32>,
        %parallel_loop3A_479 = arith.index_cast %parallel_loop3A_461 : i32 to index
        %parallel_loop3A_480 = arith.constant 16 : index
        %parallel_loop3A_481 = tpu.vector_load %arg13[%parallel_loop3A_479, %parallel_loop3A_480] {strides = array<i32>} : memref<160x64xf32, #tpu.memory_space<vmem>>, vector<16xf32>,
        tpu.vector_store %arg13[%parallel_loop3A_479, %parallel_loop3A_480], %parallel_loop3A_478 {strides = array<i32>} : memref<160x64xf32, #tpu.memory_space<vmem>>, vector<16xf32>,
        %parallel_loop3A_482 = arith.constant 32 : i32
        %parallel_loop3A_483 = arith.addi %parallel_loop3A_465, %parallel_loop3A_482 : i32
        %parallel_loop3A_484 = arith.index_cast %parallel_loop3A_461 : i32 to index
        %parallel_loop3A_485 = arith.index_cast %parallel_loop3A_483 : i32 to index
        %parallel_loop3A_486 = tpu.vector_load %arg11[%parallel_loop3A_484, %parallel_loop3A_485] {strides = array<i32>} : memref<160x128xf32, #tpu.memory_space<vmem>>, vector<16xf32>,
        %parallel_loop3A_487 = arith.index_cast %parallel_loop3A_461 : i32 to index
        %parallel_loop3A_488 = arith.constant 32 : index
        %parallel_loop3A_489 = tpu.vector_load %arg13[%parallel_loop3A_487, %parallel_loop3A_488] {strides = array<i32>} : memref<160x64xf32, #tpu.memory_space<vmem>>, vector<16xf32>,
        tpu.vector_store %arg13[%parallel_loop3A_487, %parallel_loop3A_488], %parallel_loop3A_486 {strides = array<i32>} : memref<160x64xf32, #tpu.memory_space<vmem>>, vector<16xf32>,
        %parallel_loop3A_490 = arith.constant 48 : i32
        %parallel_loop3A_491 = arith.addi %parallel_loop3A_465, %parallel_loop3A_490 : i32
        %parallel_loop3A_492 = arith.index_cast %parallel_loop3A_461 : i32 to index
        %parallel_loop3A_493 = arith.index_cast %parallel_loop3A_491 : i32 to index
        %parallel_loop3A_494 = tpu.vector_load %arg11[%parallel_loop3A_492, %parallel_loop3A_493] {strides = array<i32>} : memref<160x128xf32, #tpu.memory_space<vmem>>, vector<16xf32>,
        %parallel_loop3A_495 = arith.index_cast %parallel_loop3A_461 : i32 to index
        %parallel_loop3A_496 = arith.constant 48 : index
        %parallel_loop3A_497 = tpu.vector_load %arg13[%parallel_loop3A_495, %parallel_loop3A_496] {strides = array<i32>} : memref<160x64xf32, #tpu.memory_space<vmem>>, vector<16xf32>,
        tpu.vector_store %arg13[%parallel_loop3A_495, %parallel_loop3A_496], %parallel_loop3A_494 {strides = array<i32>} : memref<160x64xf32, #tpu.memory_space<vmem>>, vector<16xf32>,
      } {sc.loop_unroll_factor = 8 : i64, sc.parallel_access}
      %dma_start3A_416 = arith.constant 0 : i32
      %dma_start3A_417 = tpu.memref_slice %arg4[%multiple_of3A_393, %dma_start3A_416] : memref<819200x64xf32, #tpu.memory_space<hbm>> -> memref<160x64xf32, #tpu.memory_space<hbm>>
      %dma_start3A_418 = arith.constant 0 : i32
      %dma_start3A_419 = tpu.memref_slice %arg4[%multiple_of3A_393, %dma_start3A_418] : memref<819200x64xf32, #tpu.memory_space<hbm>> -> memref<160x64xf32, #tpu.memory_space<hbm>>
      tpu.enqueue_dma source(%arg13 : memref<160x64xf32, #tpu.memory_space<vmem>>) target(%dma_start3A_419 : memref<160x64xf32, #tpu.memory_space<hbm>>) target_semaphore(%arg18 : memref<!tpu.dma_semaphore, #tpu.memory_space<semaphore_mem>>)
      %add3A_420 = arith.constant 2 : i32
      %add3A_421 = arith.addi %mul3A_207, %add3A_420 : i32
      %lt3A_422 = arith.constant 160 : i32
      %lt3A_423 = arith.cmpi slt, %add3A_421, %lt3A_422 : i32
      %convert_element_type3A_424 = arith.extui %lt3A_423 : i1 to i32
      %cond3A_425 = arith.constant 0 : i32
      %cond3A_426 = arith.cmpi ne, %convert_element_type3A_424, %cond3A_425 : i32
      scf.if %cond3A_426 {
        %add3A_461 = arith.constant 2 : i32
        %add3A_462 = arith.addi %mul3A_207, %add3A_461 : i32
        %mul3A_463 = arith.constant 160 : i32
        %mul3A_464 = arith.muli %add3A_462, %mul3A_463 : i32
        %add3A_465 = arith.addi %mul3A_2, %mul3A_464 : i32
        %multiple_of3A_466 = tpu.assume_multiple %add3A_465, 160 : i32
        %dma_wait3A_467 = arith.constant 0 : i32
        %dma_wait3A_468 = tpu.memref_slice %arg5[%dma_wait3A_467] : memref<176xi32, #tpu.memory_space<vmem>> -> memref<160xi32, #tpu.memory_space<vmem>>
        %dma_wait3A_469 = tpu.memref_slice %arg2[%multiple_of3A_466] : memref<819200xi32, #tpu.memory_space<hbm>> -> memref<160xi32, #tpu.memory_space<hbm>>
        %dma_wait3A_470 = arith.constant 0 : i32
        %dma_wait3A_471 = tpu.memref_slice %arg5[%dma_wait3A_470] : memref<176xi32, #tpu.memory_space<vmem>> -> memref<160xi32, #tpu.memory_space<vmem>>
        %dma_wait3A_472 = tpu.memref_slice %arg2[%multiple_of3A_466] : memref<819200xi32, #tpu.memory_space<hbm>> -> memref<160xi32, #tpu.memory_space<hbm>>
        tpu.wait_dma2 semaphore(%arg15 : memref<!tpu.dma_semaphore, #tpu.memory_space<semaphore_mem>>) src(%dma_wait3A_472 : memref<160xi32, #tpu.memory_space<hbm>>) dst(%dma_wait3A_471 : memref<160xi32, #tpu.memory_space<vmem>>)
        %add3A_473 = arith.constant 1 : i32
        %add3A_474 = arith.addi %add3A_462, %add3A_473 : i32
        %lt3A_475 = arith.constant 160 : i32
        %lt3A_476 = arith.cmpi slt, %add3A_474, %lt3A_475 : i32
        %convert_element_type3A_477 = arith.extui %lt3A_476 : i1 to i32
        %cond3A_478 = arith.constant 0 : i32
        %cond3A_479 = arith.cmpi ne, %convert_element_type3A_477, %cond3A_478 : i32
        scf.if %cond3A_479 {
          %add3A_646 = arith.constant 1 : i32
          %add3A_647 = arith.addi %add3A_462, %add3A_646 : i32
          %mul3A_648 = arith.constant 160 : i32
          %mul3A_649 = arith.muli %add3A_647, %mul3A_648 : i32
          %add3A_650 = arith.addi %mul3A_2, %mul3A_649 : i32
          %multiple_of3A_651 = tpu.assume_multiple %add3A_650, 160 : i32
          %dma_start3A_652 = arith.constant 0 : i32
          %dma_start3A_653 = tpu.memref_slice %arg6[%dma_start3A_652] : memref<176xi32, #tpu.memory_space<vmem>> -> memref<160xi32, #tpu.memory_space<vmem>>
          %dma_start3A_654 = tpu.memref_slice %arg2[%multiple_of3A_651] : memref<819200xi32, #tpu.memory_space<hbm>> -> memref<160xi32, #tpu.memory_space<hbm>>
          %dma_start3A_655 = arith.constant 0 : i32
          %dma_start3A_656 = tpu.memref_slice %arg6[%dma_start3A_655] : memref<176xi32, #tpu.memory_space<vmem>> -> memref<160xi32, #tpu.memory_space<vmem>>
          %dma_start3A_657 = tpu.memref_slice %arg2[%multiple_of3A_651] : memref<819200xi32, #tpu.memory_space<hbm>> -> memref<160xi32, #tpu.memory_space<hbm>>
          tpu.enqueue_dma source(%dma_start3A_657 : memref<160xi32, #tpu.memory_space<hbm>>) target(%dma_start3A_656 : memref<160xi32, #tpu.memory_space<vmem>>) target_semaphore(%arg15 : memref<!tpu.dma_semaphore, #tpu.memory_space<semaphore_mem>>)
        } else {
        }
        %get3A_480 = arith.constant 0 : index
        %get3A_481 = tpu.vector_load %arg5[%get3A_480] {strides = array<i32>} : memref<176xi32, #tpu.memory_space<vmem>>, vector<16xi32>,
        %shift_right_logical3A_482 = arith.constant 1 : i32
        %shift_right_logical3A_483 = vector.broadcast %shift_right_logical3A_482 : i32 to vector<16xi32>
        %shift_right_logical3A_484 = arith.shrui %get3A_481, %shift_right_logical3A_483 : vector<16xi32>
        %swap3A_485 = arith.constant 0 : index
        %swap3A_486 = tpu.vector_load %arg7[%swap3A_485] {strides = array<i32>} : memref<160xi32, #tpu.memory_space<vmem>>, vector<16xi32>,
        tpu.vector_store %arg7[%swap3A_485], %shift_right_logical3A_484 {strides = array<i32>} : memref<160xi32, #tpu.memory_space<vmem>>, vector<16xi32>,
        %and3A_487 = arith.constant 1 : i32
        %and3A_488 = vector.broadcast %and3A_487 : i32 to vector<16xi32>
        %and3A_489 = arith.andi %get3A_481, %and3A_488 : vector<16xi32>
        %mul3A_490 = arith.constant 64 : i32
        %mul3A_491 = vector.broadcast %mul3A_490 : i32 to vector<16xi32>
        %mul3A_492 = arith.muli %and3A_489, %mul3A_491 : vector<16xi32>
        %swap3A_493 = arith.constant 0 : index
        %swap3A_494 = tpu.vector_load %arg9[%swap3A_493] {strides = array<i32>} : memref<176xi32, #tpu.memory_space<vmem>>, vector<16xi32>,
        tpu.vector_store %arg9[%swap3A_493], %mul3A_492 {strides = array<i32>} : memref<176xi32, #tpu.memory_space<vmem>>, vector<16xi32>,
        %get3A_495 = arith.constant 16 : index
        %get3A_496 = tpu.vector_load %arg5[%get3A_495] {strides = array<i32>} : memref<176xi32, #tpu.memory_space<vmem>>, vector<16xi32>,
        %shift_right_logical3A_497 = arith.constant 1 : i32
        %shift_right_logical3A_498 = vector.broadcast %shift_right_logical3A_497 : i32 to vector<16xi32>
        %shift_right_logical3A_499 = arith.shrui %get3A_496, %shift_right_logical3A_498 : vector<16xi32>
        %swap3A_500 = arith.constant 16 : index
        %swap3A_501 = tpu.vector_load %arg7[%swap3A_500] {strides = array<i32>} : memref<160xi32, #tpu.memory_space<vmem>>, vector<16xi32>,
        tpu.vector_store %arg7[%swap3A_500], %shift_right_logical3A_499 {strides = array<i32>} : memref<160xi32, #tpu.memory_space<vmem>>, vector<16xi32>,
        %and3A_502 = arith.constant 1 : i32
        %and3A_503 = vector.broadcast %and3A_502 : i32 to vector<16xi32>
        %and3A_504 = arith.andi %get3A_496, %and3A_503 : vector<16xi32>
        %mul3A_505 = arith.constant 64 : i32
        %mul3A_506 = vector.broadcast %mul3A_505 : i32 to vector<16xi32>
        %mul3A_507 = arith.muli %and3A_504, %mul3A_506 : vector<16xi32>
        %swap3A_508 = arith.constant 16 : index
        %swap3A_509 = tpu.vector_load %arg9[%swap3A_508] {strides = array<i32>} : memref<176xi32, #tpu.memory_space<vmem>>, vector<16xi32>,
        tpu.vector_store %arg9[%swap3A_508], %mul3A_507 {strides = array<i32>} : memref<176xi32, #tpu.memory_space<vmem>>, vector<16xi32>,
        %get3A_510 = arith.constant 32 : index
        %get3A_511 = tpu.vector_load %arg5[%get3A_510] {strides = array<i32>} : memref<176xi32, #tpu.memory_space<vmem>>, vector<16xi32>,
        %shift_right_logical3A_512 = arith.constant 1 : i32
        %shift_right_logical3A_513 = vector.broadcast %shift_right_logical3A_512 : i32 to vector<16xi32>
        %shift_right_logical3A_514 = arith.shrui %get3A_511, %shift_right_logical3A_513 : vector<16xi32>
        %swap3A_515 = arith.constant 32 : index
        %swap3A_516 = tpu.vector_load %arg7[%swap3A_515] {strides = array<i32>} : memref<160xi32, #tpu.memory_space<vmem>>, vector<16xi32>,
        tpu.vector_store %arg7[%swap3A_515], %shift_right_logical3A_514 {strides = array<i32>} : memref<160xi32, #tpu.memory_space<vmem>>, vector<16xi32>,
        %and3A_517 = arith.constant 1 : i32
        %and3A_518 = vector.broadcast %and3A_517 : i32 to vector<16xi32>
        %and3A_519 = arith.andi %get3A_511, %and3A_518 : vector<16xi32>
        %mul3A_520 = arith.constant 64 : i32
        %mul3A_521 = vector.broadcast %mul3A_520 : i32 to vector<16xi32>
        %mul3A_522 = arith.muli %and3A_519, %mul3A_521 : vector<16xi32>
        %swap3A_523 = arith.constant 32 : index
        %swap3A_524 = tpu.vector_load %arg9[%swap3A_523] {strides = array<i32>} : memref<176xi32, #tpu.memory_space<vmem>>, vector<16xi32>,
        tpu.vector_store %arg9[%swap3A_523], %mul3A_522 {strides = array<i32>} : memref<176xi32, #tpu.memory_space<vmem>>, vector<16xi32>,
        %get3A_525 = arith.constant 48 : index
        %get3A_526 = tpu.vector_load %arg5[%get3A_525] {strides = array<i32>} : memref<176xi32, #tpu.memory_space<vmem>>, vector<16xi32>,
        %shift_right_logical3A_527 = arith.constant 1 : i32
        %shift_right_logical3A_528 = vector.broadcast %shift_right_logical3A_527 : i32 to vector<16xi32>
        %shift_right_logical3A_529 = arith.shrui %get3A_526, %shift_right_logical3A_528 : vector<16xi32>
        %swap3A_530 = arith.constant 48 : index
        %swap3A_531 = tpu.vector_load %arg7[%swap3A_530] {strides = array<i32>} : memref<160xi32, #tpu.memory_space<vmem>>, vector<16xi32>,
        tpu.vector_store %arg7[%swap3A_530], %shift_right_logical3A_529 {strides = array<i32>} : memref<160xi32, #tpu.memory_space<vmem>>, vector<16xi32>,
        %and3A_532 = arith.constant 1 : i32
        %and3A_533 = vector.broadcast %and3A_532 : i32 to vector<16xi32>
        %and3A_534 = arith.andi %get3A_526, %and3A_533 : vector<16xi32>
        %mul3A_535 = arith.constant 64 : i32
        %mul3A_536 = vector.broadcast %mul3A_535 : i32 to vector<16xi32>
        %mul3A_537 = arith.muli %and3A_534, %mul3A_536 : vector<16xi32>
        %swap3A_538 = arith.constant 48 : index
        %swap3A_539 = tpu.vector_load %arg9[%swap3A_538] {strides = array<i32>} : memref<176xi32, #tpu.memory_space<vmem>>, vector<16xi32>,
        tpu.vector_store %arg9[%swap3A_538], %mul3A_537 {strides = array<i32>} : memref<176xi32, #tpu.memory_space<vmem>>, vector<16xi32>,
        %get3A_540 = arith.constant 64 : index
        %get3A_541 = tpu.vector_load %arg5[%get3A_540] {strides = array<i32>} : memref<176xi32, #tpu.memory_space<vmem>>, vector<16xi32>,
        %shift_right_logical3A_542 = arith.constant 1 : i32
        %shift_right_logical3A_543 = vector.broadcast %shift_right_logical3A_542 : i32 to vector<16xi32>
        %shift_right_logical3A_544 = arith.shrui %get3A_541, %shift_right_logical3A_543 : vector<16xi32>
        %swap3A_545 = arith.constant 64 : index
        %swap3A_546 = tpu.vector_load %arg7[%swap3A_545] {strides = array<i32>} : memref<160xi32, #tpu.memory_space<vmem>>, vector<16xi32>,
        tpu.vector_store %arg7[%swap3A_545], %shift_right_logical3A_544 {strides = array<i32>} : memref<160xi32, #tpu.memory_space<vmem>>, vector<16xi32>,
        %and3A_547 = arith.constant 1 : i32
        %and3A_548 = vector.broadcast %and3A_547 : i32 to vector<16xi32>
        %and3A_549 = arith.andi %get3A_541, %and3A_548 : vector<16xi32>
        %mul3A_550 = arith.constant 64 : i32
        %mul3A_551 = vector.broadcast %mul3A_550 : i32 to vector<16xi32>
        %mul3A_552 = arith.muli %and3A_549, %mul3A_551 : vector<16xi32>
        %swap3A_553 = arith.constant 64 : index
        %swap3A_554 = tpu.vector_load %arg9[%swap3A_553] {strides = array<i32>} : memref<176xi32, #tpu.memory_space<vmem>>, vector<16xi32>,
        tpu.vector_store %arg9[%swap3A_553], %mul3A_552 {strides = array<i32>} : memref<176xi32, #tpu.memory_space<vmem>>, vector<16xi32>,
        %get3A_555 = arith.constant 80 : index
        %get3A_556 = tpu.vector_load %arg5[%get3A_555] {strides = array<i32>} : memref<176xi32, #tpu.memory_space<vmem>>, vector<16xi32>,
        %shift_right_logical3A_557 = arith.constant 1 : i32
        %shift_right_logical3A_558 = vector.broadcast %shift_right_logical3A_557 : i32 to vector<16xi32>
        %shift_right_logical3A_559 = arith.shrui %get3A_556, %shift_right_logical3A_558 : vector<16xi32>
        %swap3A_560 = arith.constant 80 : index
        %swap3A_561 = tpu.vector_load %arg7[%swap3A_560] {strides = array<i32>} : memref<160xi32, #tpu.memory_space<vmem>>, vector<16xi32>,
        tpu.vector_store %arg7[%swap3A_560], %shift_right_logical3A_559 {strides = array<i32>} : memref<160xi32, #tpu.memory_space<vmem>>, vector<16xi32>,
        %and3A_562 = arith.constant 1 : i32
        %and3A_563 = vector.broadcast %and3A_562 : i32 to vector<16xi32>
        %and3A_564 = arith.andi %get3A_556, %and3A_563 : vector<16xi32>
        %mul3A_565 = arith.constant 64 : i32
        %mul3A_566 = vector.broadcast %mul3A_565 : i32 to vector<16xi32>
        %mul3A_567 = arith.muli %and3A_564, %mul3A_566 : vector<16xi32>
        %swap3A_568 = arith.constant 80 : index
        %swap3A_569 = tpu.vector_load %arg9[%swap3A_568] {strides = array<i32>} : memref<176xi32, #tpu.memory_space<vmem>>, vector<16xi32>,
        tpu.vector_store %arg9[%swap3A_568], %mul3A_567 {strides = array<i32>} : memref<176xi32, #tpu.memory_space<vmem>>, vector<16xi32>,
        %get3A_570 = arith.constant 96 : index
        %get3A_571 = tpu.vector_load %arg5[%get3A_570] {strides = array<i32>} : memref<176xi32, #tpu.memory_space<vmem>>, vector<16xi32>,
        %shift_right_logical3A_572 = arith.constant 1 : i32
        %shift_right_logical3A_573 = vector.broadcast %shift_right_logical3A_572 : i32 to vector<16xi32>
        %shift_right_logical3A_574 = arith.shrui %get3A_571, %shift_right_logical3A_573 : vector<16xi32>
        %swap3A_575 = arith.constant 96 : index
        %swap3A_576 = tpu.vector_load %arg7[%swap3A_575] {strides = array<i32>} : memref<160xi32, #tpu.memory_space<vmem>>, vector<16xi32>,
        tpu.vector_store %arg7[%swap3A_575], %shift_right_logical3A_574 {strides = array<i32>} : memref<160xi32, #tpu.memory_space<vmem>>, vector<16xi32>,
        %and3A_577 = arith.constant 1 : i32
        %and3A_578 = vector.broadcast %and3A_577 : i32 to vector<16xi32>
        %and3A_579 = arith.andi %get3A_571, %and3A_578 : vector<16xi32>
        %mul3A_580 = arith.constant 64 : i32
        %mul3A_581 = vector.broadcast %mul3A_580 : i32 to vector<16xi32>
        %mul3A_582 = arith.muli %and3A_579, %mul3A_581 : vector<16xi32>
        %swap3A_583 = arith.constant 96 : index
        %swap3A_584 = tpu.vector_load %arg9[%swap3A_583] {strides = array<i32>} : memref<176xi32, #tpu.memory_space<vmem>>, vector<16xi32>,
        tpu.vector_store %arg9[%swap3A_583], %mul3A_582 {strides = array<i32>} : memref<176xi32, #tpu.memory_space<vmem>>, vector<16xi32>,
        %get3A_585 = arith.constant 112 : index
        %get3A_586 = tpu.vector_load %arg5[%get3A_585] {strides = array<i32>} : memref<176xi32, #tpu.memory_space<vmem>>, vector<16xi32>,
        %shift_right_logical3A_587 = arith.constant 1 : i32
        %shift_right_logical3A_588 = vector.broadcast %shift_right_logical3A_587 : i32 to vector<16xi32>
        %shift_right_logical3A_589 = arith.shrui %get3A_586, %shift_right_logical3A_588 : vector<16xi32>
        %swap3A_590 = arith.constant 112 : index
        %swap3A_591 = tpu.vector_load %arg7[%swap3A_590] {strides = array<i32>} : memref<160xi32, #tpu.memory_space<vmem>>, vector<16xi32>,
        tpu.vector_store %arg7[%swap3A_590], %shift_right_logical3A_589 {strides = array<i32>} : memref<160xi32, #tpu.memory_space<vmem>>, vector<16xi32>,
        %and3A_592 = arith.constant 1 : i32
        %and3A_593 = vector.broadcast %and3A_592 : i32 to vector<16xi32>
        %and3A_594 = arith.andi %get3A_586, %and3A_593 : vector<16xi32>
        %mul3A_595 = arith.constant 64 : i32
        %mul3A_596 = vector.broadcast %mul3A_595 : i32 to vector<16xi32>
        %mul3A_597 = arith.muli %and3A_594, %mul3A_596 : vector<16xi32>
        %swap3A_598 = arith.constant 112 : index
        %swap3A_599 = tpu.vector_load %arg9[%swap3A_598] {strides = array<i32>} : memref<176xi32, #tpu.memory_space<vmem>>, vector<16xi32>,
        tpu.vector_store %arg9[%swap3A_598], %mul3A_597 {strides = array<i32>} : memref<176xi32, #tpu.memory_space<vmem>>, vector<16xi32>,
        %get3A_600 = arith.constant 128 : index
        %get3A_601 = tpu.vector_load %arg5[%get3A_600] {strides = array<i32>} : memref<176xi32, #tpu.memory_space<vmem>>, vector<16xi32>,
        %shift_right_logical3A_602 = arith.constant 1 : i32
        %shift_right_logical3A_603 = vector.broadcast %shift_right_logical3A_602 : i32 to vector<16xi32>
        %shift_right_logical3A_604 = arith.shrui %get3A_601, %shift_right_logical3A_603 : vector<16xi32>
        %swap3A_605 = arith.constant 128 : index
        %swap3A_606 = tpu.vector_load %arg7[%swap3A_605] {strides = array<i32>} : memref<160xi32, #tpu.memory_space<vmem>>, vector<16xi32>,
        tpu.vector_store %arg7[%swap3A_605], %shift_right_logical3A_604 {strides = array<i32>} : memref<160xi32, #tpu.memory_space<vmem>>, vector<16xi32>,
        %and3A_607 = arith.constant 1 : i32
        %and3A_608 = vector.broadcast %and3A_607 : i32 to vector<16xi32>
        %and3A_609 = arith.andi %get3A_601, %and3A_608 : vector<16xi32>
        %mul3A_610 = arith.constant 64 : i32
        %mul3A_611 = vector.broadcast %mul3A_610 : i32 to vector<16xi32>
        %mul3A_612 = arith.muli %and3A_609, %mul3A_611 : vector<16xi32>
        %swap3A_613 = arith.constant 128 : index
        %swap3A_614 = tpu.vector_load %arg9[%swap3A_613] {strides = array<i32>} : memref<176xi32, #tpu.memory_space<vmem>>, vector<16xi32>,
        tpu.vector_store %arg9[%swap3A_613], %mul3A_612 {strides = array<i32>} : memref<176xi32, #tpu.memory_space<vmem>>, vector<16xi32>,
        %get3A_615 = arith.constant 144 : index
        %get3A_616 = tpu.vector_load %arg5[%get3A_615] {strides = array<i32>} : memref<176xi32, #tpu.memory_space<vmem>>, vector<16xi32>,
        %shift_right_logical3A_617 = arith.constant 1 : i32
        %shift_right_logical3A_618 = vector.broadcast %shift_right_logical3A_617 : i32 to vector<16xi32>
        %shift_right_logical3A_619 = arith.shrui %get3A_616, %shift_right_logical3A_618 : vector<16xi32>
        %swap3A_620 = arith.constant 144 : index
        %swap3A_621 = tpu.vector_load %arg7[%swap3A_620] {strides = array<i32>} : memref<160xi32, #tpu.memory_space<vmem>>, vector<16xi32>,
        tpu.vector_store %arg7[%swap3A_620], %shift_right_logical3A_619 {strides = array<i32>} : memref<160xi32, #tpu.memory_space<vmem>>, vector<16xi32>,
        %and3A_622 = arith.constant 1 : i32
        %and3A_623 = vector.broadcast %and3A_622 : i32 to vector<16xi32>
        %and3A_624 = arith.andi %get3A_616, %and3A_623 : vector<16xi32>
        %mul3A_625 = arith.constant 64 : i32
        %mul3A_626 = vector.broadcast %mul3A_625 : i32 to vector<16xi32>
        %mul3A_627 = arith.muli %and3A_624, %mul3A_626 : vector<16xi32>
        %swap3A_628 = arith.constant 144 : index
        %swap3A_629 = tpu.vector_load %arg9[%swap3A_628] {strides = array<i32>} : memref<176xi32, #tpu.memory_space<vmem>>, vector<16xi32>,
        tpu.vector_store %arg9[%swap3A_628], %mul3A_627 {strides = array<i32>} : memref<176xi32, #tpu.memory_space<vmem>>, vector<16xi32>,
        %dma_start3A_630 = arith.constant 0 : i32
        %dma_start3A_631 = arith.constant 0 : i32
        %dma_start3A_632 = tpu.memref_slice %arg11[%dma_start3A_630, %dma_start3A_631] : memref<160x128xf32, #tpu.memory_space<vmem>> -> memref<80x128xf32, #tpu.memory_space<vmem>>
        %dma_start3A_633 = arith.constant 0 : i32
        %dma_start3A_634 = tpu.memref_slice %arg7[%dma_start3A_633] : memref<160xi32, #tpu.memory_space<vmem>> -> memref<80xi32, #tpu.memory_space<vmem>>
        %dma_start3A_635 = arith.constant 0 : i32
        %dma_start3A_636 = arith.constant 0 : i32
        %dma_start3A_637 = tpu.memref_slice %arg3[%dma_start3A_635, %dma_start3A_636] : memref<500000x128xf32, #tpu.memory_space<hbm>> -> memref<500000x128xf32, #tpu.memory_space<hbm>>
        tpu.enqueue_indirect_dma source(%dma_start3A_637 : memref<500000x128xf32, #tpu.memory_space<hbm>>) target(%dma_start3A_632 : memref<80x128xf32, #tpu.memory_space<vmem>>) offsets(%dma_start3A_634 : memref<80xi32, #tpu.memory_space<vmem>>) semaphore(%arg16 : memref<!tpu.dma_semaphore, #tpu.memory_space<semaphore_mem>>)
        %dma_start3A_638 = arith.constant 80 : i32
        %dma_start3A_639 = arith.constant 0 : i32
        %dma_start3A_640 = tpu.memref_slice %arg11[%dma_start3A_638, %dma_start3A_639] : memref<160x128xf32, #tpu.memory_space<vmem>> -> memref<80x128xf32, #tpu.memory_space<vmem>>
        %dma_start3A_641 = arith.constant 80 : i32
        %dma_start3A_642 = tpu.memref_slice %arg7[%dma_start3A_641] : memref<160xi32, #tpu.memory_space<vmem>> -> memref<80xi32, #tpu.memory_space<vmem>>
        %dma_start3A_643 = arith.constant 0 : i32
        %dma_start3A_644 = arith.constant 0 : i32
        %dma_start3A_645 = tpu.memref_slice %arg3[%dma_start3A_643, %dma_start3A_644] : memref<500000x128xf32, #tpu.memory_space<hbm>> -> memref<500000x128xf32, #tpu.memory_space<hbm>>
        tpu.enqueue_indirect_dma source(%dma_start3A_645 : memref<500000x128xf32, #tpu.memory_space<hbm>>) target(%dma_start3A_640 : memref<80x128xf32, #tpu.memory_space<vmem>>) offsets(%dma_start3A_642 : memref<80xi32, #tpu.memory_space<vmem>>) semaphore(%arg16 : memref<!tpu.dma_semaphore, #tpu.memory_space<semaphore_mem>>)
      } else {
      }
      %add3A_427 = arith.constant 1 : i32
      %add3A_428 = arith.addi %mul3A_207, %add3A_427 : i32
      %mul3A_429 = arith.constant 160 : i32
      %mul3A_430 = arith.muli %add3A_428, %mul3A_429 : i32
      %add3A_431 = arith.addi %mul3A_2, %mul3A_430 : i32
      %multiple_of3A_432 = tpu.assume_multiple %add3A_431, 160 : i32
      %dma_wait3A_433 = arith.constant 0 : i32
      %dma_wait3A_434 = arith.constant 0 : i32
      %dma_wait3A_435 = tpu.memref_slice %arg12[%dma_wait3A_433, %dma_wait3A_434] : memref<160x128xf32, #tpu.memory_space<vmem>> -> memref<80x128xf32, #tpu.memory_space<vmem>>
      %dma_wait3A_436 = arith.constant 0 : i32
      %dma_wait3A_437 = tpu.memref_slice %arg8[%dma_wait3A_436] : memref<160xi32, #tpu.memory_space<vmem>> -> memref<80xi32, #tpu.memory_space<vmem>>
      %dma_wait3A_438 = arith.constant 0 : i32
      %dma_wait3A_439 = arith.constant 0 : i32
      %dma_wait3A_440 = tpu.memref_slice %arg3[%dma_wait3A_438, %dma_wait3A_439] : memref<500000x128xf32, #tpu.memory_space<hbm>> -> memref<500000x128xf32, #tpu.memory_space<hbm>>
      tpu.wait_indirect_dma semaphore(%arg17 : memref<!tpu.dma_semaphore, #tpu.memory_space<semaphore_mem>>) src(%dma_wait3A_440 : memref<500000x128xf32, #tpu.memory_space<hbm>>) dst(%dma_wait3A_435 : memref<80x128xf32, #tpu.memory_space<vmem>>)
      %dma_wait3A_441 = arith.constant 80 : i32
      %dma_wait3A_442 = arith.constant 0 : i32
      %dma_wait3A_443 = tpu.memref_slice %arg12[%dma_wait3A_441, %dma_wait3A_442] : memref<160x128xf32, #tpu.memory_space<vmem>> -> memref<80x128xf32, #tpu.memory_space<vmem>>
      %dma_wait3A_444 = arith.constant 80 : i32
      %dma_wait3A_445 = tpu.memref_slice %arg8[%dma_wait3A_444] : memref<160xi32, #tpu.memory_space<vmem>> -> memref<80xi32, #tpu.memory_space<vmem>>
      %dma_wait3A_446 = arith.constant 0 : i32
      %dma_wait3A_447 = arith.constant 0 : i32
      %dma_wait3A_448 = tpu.memref_slice %arg3[%dma_wait3A_446, %dma_wait3A_447] : memref<500000x128xf32, #tpu.memory_space<hbm>> -> memref<500000x128xf32, #tpu.memory_space<hbm>>
      tpu.wait_indirect_dma semaphore(%arg17 : memref<!tpu.dma_semaphore, #tpu.memory_space<semaphore_mem>>) src(%dma_wait3A_448 : memref<500000x128xf32, #tpu.memory_space<hbm>>) dst(%dma_wait3A_443 : memref<80x128xf32, #tpu.memory_space<vmem>>)
      %ge3A_449 = arith.constant 2 : i32
      %ge3A_450 = arith.cmpi sge, %add3A_428, %ge3A_449 : i32
      %convert_element_type3A_451 = arith.extui %ge3A_450 : i1 to i32
      %cond3A_452 = arith.constant 0 : i32
      %cond3A_453 = arith.cmpi ne, %convert_element_type3A_451, %cond3A_452 : i32
      scf.if %cond3A_453 {
        %dma_wait3A_461 = arith.constant 0 : i32
        %dma_wait3A_462 = tpu.memref_slice %arg4[%multiple_of3A_432, %dma_wait3A_461] : memref<819200x64xf32, #tpu.memory_space<hbm>> -> memref<160x64xf32, #tpu.memory_space<hbm>>
        %dma_wait3A_463 = arith.constant 0 : i32
        %dma_wait3A_464 = tpu.memref_slice %arg4[%multiple_of3A_432, %dma_wait3A_463] : memref<819200x64xf32, #tpu.memory_space<hbm>> -> memref<160x64xf32, #tpu.memory_space<hbm>>
        tpu.wait_dma2 semaphore(%arg19 : memref<!tpu.dma_semaphore, #tpu.memory_space<semaphore_mem>>) src(%arg14 : memref<160x64xf32, #tpu.memory_space<vmem>>) dst(%dma_wait3A_464 : memref<160x64xf32, #tpu.memory_space<hbm>>)
      } else {
      }
      %parallel_loop3A_454 = arith.constant 0 : i32
      %parallel_loop3A_455 = arith.constant 160 : i32
      %parallel_loop3A_456 = arith.constant 1 : i32
      scf.for %parallel_loop3A_461 = %parallel_loop3A_454 to %parallel_loop3A_455 step %parallel_loop3A_456  : i32 {
        %parallel_loop3A_462 = arith.index_cast %parallel_loop3A_461 : i32 to index
        %parallel_loop3A_463 = tpu.vector_load %arg10[%parallel_loop3A_462] {strides = array<i32>} : memref<176xi32, #tpu.memory_space<vmem>>, vector<16xi32>,
        %parallel_loop3A_464 = vector.extract_strided_slice %parallel_loop3A_463 {offsets = [0], sizes = [1], strides = [1]} : vector<16xi32> to vector<1xi32>
        %parallel_loop3A_465 = vector.extract %parallel_loop3A_464[0] : i32 from vector<1xi32>
        %parallel_loop3A_466 = arith.constant 0 : i32
        %parallel_loop3A_467 = arith.addi %parallel_loop3A_465, %parallel_loop3A_466 : i32
        %parallel_loop3A_468 = arith.index_cast %parallel_loop3A_461 : i32 to index
        %parallel_loop3A_469 = arith.index_cast %parallel_loop3A_467 : i32 to index
        %parallel_loop3A_470 = tpu.vector_load %arg12[%parallel_loop3A_468, %parallel_loop3A_469] {strides = array<i32>} : memref<160x128xf32, #tpu.memory_space<vmem>>, vector<16xf32>,
        %parallel_loop3A_471 = arith.index_cast %parallel_loop3A_461 : i32 to index
        %parallel_loop3A_472 = arith.constant 0 : index
        %parallel_loop3A_473 = tpu.vector_load %arg14[%parallel_loop3A_471, %parallel_loop3A_472] {strides = array<i32>} : memref<160x64xf32, #tpu.memory_space<vmem>>, vector<16xf32>,
        tpu.vector_store %arg14[%parallel_loop3A_471, %parallel_loop3A_472], %parallel_loop3A_470 {strides = array<i32>} : memref<160x64xf32, #tpu.memory_space<vmem>>, vector<16xf32>,
        %parallel_loop3A_474 = arith.constant 16 : i32
        %parallel_loop3A_475 = arith.addi %parallel_loop3A_465, %parallel_loop3A_474 : i32
        %parallel_loop3A_476 = arith.index_cast %parallel_loop3A_461 : i32 to index
        %parallel_loop3A_477 = arith.index_cast %parallel_loop3A_475 : i32 to index
        %parallel_loop3A_478 = tpu.vector_load %arg12[%parallel_loop3A_476, %parallel_loop3A_477] {strides = array<i32>} : memref<160x128xf32, #tpu.memory_space<vmem>>, vector<16xf32>,
        %parallel_loop3A_479 = arith.index_cast %parallel_loop3A_461 : i32 to index
        %parallel_loop3A_480 = arith.constant 16 : index
        %parallel_loop3A_481 = tpu.vector_load %arg14[%parallel_loop3A_479, %parallel_loop3A_480] {strides = array<i32>} : memref<160x64xf32, #tpu.memory_space<vmem>>, vector<16xf32>,
        tpu.vector_store %arg14[%parallel_loop3A_479, %parallel_loop3A_480], %parallel_loop3A_478 {strides = array<i32>} : memref<160x64xf32, #tpu.memory_space<vmem>>, vector<16xf32>,
        %parallel_loop3A_482 = arith.constant 32 : i32
        %parallel_loop3A_483 = arith.addi %parallel_loop3A_465, %parallel_loop3A_482 : i32
        %parallel_loop3A_484 = arith.index_cast %parallel_loop3A_461 : i32 to index
        %parallel_loop3A_485 = arith.index_cast %parallel_loop3A_483 : i32 to index
        %parallel_loop3A_486 = tpu.vector_load %arg12[%parallel_loop3A_484, %parallel_loop3A_485] {strides = array<i32>} : memref<160x128xf32, #tpu.memory_space<vmem>>, vector<16xf32>,
        %parallel_loop3A_487 = arith.index_cast %parallel_loop3A_461 : i32 to index
        %parallel_loop3A_488 = arith.constant 32 : index
        %parallel_loop3A_489 = tpu.vector_load %arg14[%parallel_loop3A_487, %parallel_loop3A_488] {strides = array<i32>} : memref<160x64xf32, #tpu.memory_space<vmem>>, vector<16xf32>,
        tpu.vector_store %arg14[%parallel_loop3A_487, %parallel_loop3A_488], %parallel_loop3A_486 {strides = array<i32>} : memref<160x64xf32, #tpu.memory_space<vmem>>, vector<16xf32>,
        %parallel_loop3A_490 = arith.constant 48 : i32
        %parallel_loop3A_491 = arith.addi %parallel_loop3A_465, %parallel_loop3A_490 : i32
        %parallel_loop3A_492 = arith.index_cast %parallel_loop3A_461 : i32 to index
        %parallel_loop3A_493 = arith.index_cast %parallel_loop3A_491 : i32 to index
        %parallel_loop3A_494 = tpu.vector_load %arg12[%parallel_loop3A_492, %parallel_loop3A_493] {strides = array<i32>} : memref<160x128xf32, #tpu.memory_space<vmem>>, vector<16xf32>,
        %parallel_loop3A_495 = arith.index_cast %parallel_loop3A_461 : i32 to index
        %parallel_loop3A_496 = arith.constant 48 : index
        %parallel_loop3A_497 = tpu.vector_load %arg14[%parallel_loop3A_495, %parallel_loop3A_496] {strides = array<i32>} : memref<160x64xf32, #tpu.memory_space<vmem>>, vector<16xf32>,
        tpu.vector_store %arg14[%parallel_loop3A_495, %parallel_loop3A_496], %parallel_loop3A_494 {strides = array<i32>} : memref<160x64xf32, #tpu.memory_space<vmem>>, vector<16xf32>,
      } {sc.loop_unroll_factor = 8 : i64, sc.parallel_access}
      %dma_start3A_457 = arith.constant 0 : i32
      %dma_start3A_458 = tpu.memref_slice %arg4[%multiple_of3A_432, %dma_start3A_457] : memref<819200x64xf32, #tpu.memory_space<hbm>> -> memref<160x64xf32, #tpu.memory_space<hbm>>
      %dma_start3A_459 = arith.constant 0 : i32
      %dma_start3A_460 = tpu.memref_slice %arg4[%multiple_of3A_432, %dma_start3A_459] : memref<819200x64xf32, #tpu.memory_space<hbm>> -> memref<160x64xf32, #tpu.memory_space<hbm>>
      tpu.enqueue_dma source(%arg14 : memref<160x64xf32, #tpu.memory_space<vmem>>) target(%dma_start3A_460 : memref<160x64xf32, #tpu.memory_space<hbm>>) target_semaphore(%arg19 : memref<!tpu.dma_semaphore, #tpu.memory_space<semaphore_mem>>)
    }
    %scan3A_190 = arith.constant 80 : i32
    %add3A_191 = arith.constant 25280 : i32
    %add3A_192 = arith.addi %mul3A_2, %add3A_191 : i32
    %multiple_of3A_193 = tpu.assume_multiple %add3A_192, 160 : i32
    %dma_wait3A_194 = arith.constant 0 : i32
    %dma_wait3A_195 = tpu.memref_slice %arg4[%multiple_of3A_193, %dma_wait3A_194] : memref<819200x64xf32, #tpu.memory_space<hbm>> -> memref<160x64xf32, #tpu.memory_space<hbm>>
    %dma_wait3A_196 = arith.constant 0 : i32
    %dma_wait3A_197 = tpu.memref_slice %arg4[%multiple_of3A_193, %dma_wait3A_196] : memref<819200x64xf32, #tpu.memory_space<hbm>> -> memref<160x64xf32, #tpu.memory_space<hbm>>
    tpu.wait_dma2 semaphore(%arg18 : memref<!tpu.dma_semaphore, #tpu.memory_space<semaphore_mem>>) src(%arg13 : memref<160x64xf32, #tpu.memory_space<vmem>>) dst(%dma_wait3A_197 : memref<160x64xf32, #tpu.memory_space<hbm>>)
    %add3A_198 = arith.constant 25440 : i32
    %add3A_199 = arith.addi %mul3A_2, %add3A_198 : i32
    %multiple_of3A_200 = tpu.assume_multiple %add3A_199, 160 : i32
    %dma_wait3A_201 = arith.constant 0 : i32
    %dma_wait3A_202 = tpu.memref_slice %arg4[%multiple_of3A_200, %dma_wait3A_201] : memref<819200x64xf32, #tpu.memory_space<hbm>> -> memref<160x64xf32, #tpu.memory_space<hbm>>
    %dma_wait3A_203 = arith.constant 0 : i32
    %dma_wait3A_204 = tpu.memref_slice %arg4[%multiple_of3A_200, %dma_wait3A_203] : memref<819200x64xf32, #tpu.memory_space<hbm>> -> memref<160x64xf32, #tpu.memory_space<hbm>>
    tpu.wait_dma2 semaphore(%arg19 : memref<!tpu.dma_semaphore, #tpu.memory_space<semaphore_mem>>) src(%arg14 : memref<160x64xf32, #tpu.memory_space<vmem>>) dst(%dma_wait3A_204 : memref<160x64xf32, #tpu.memory_space<hbm>>)
    return
  }
}

</mosaic_0001>

<sc_bundles>
// kernel: _embed.3.cloned.1.call-start
scs
__scs_entry_jumppad:
0x0: {  	(pc) =	sbr.rel $0x88, $3  }
0x1: {  	(tag) =	ssettag $0x0;
	lr =	simm.s32 $0x1  }
0x2: {  	[smem:$0x3F9F] =	sst lr;
	_ =	strace $0xD0000000  }
0x3: {  	_ = 	snop  }
0x4: {  	_ = 	snop  }
0x5: {  	_ = 	snop  }
0x6: {  	_ = 	snop  }
0x7: {  	_ = 	snop  }
__scs_overlays_trampoline_lowered:
0x8: {  	[smem:$0x3FAE] =	sst s0  }
0x9: {  	[smem:$0x3FAF] =	sst s1  }
0xa: {  	[smem:$0x3FB0] =	sst s2  }
0xb: {  	[smem:$0x3FB1] =	sst s3  }
0xc: {  	[smem:$0x3FB2] =	sst s4  }
0xd: {  	[smem:$0x3FB3] =	sst s5  }
0xe: {  	[smem:$0x3FB4] =	sst s6  }
0xf: {  	[smem:$0x3FB5] =	sst s7  }
0x10: {  	[smem:$0x3FB6] =	sst s8  }
0x11: {  	[smem:$0x3FB7] =	sst s9;
	s0 =	simm.s32 @!p0 $0x0  }
0x12: {  	s1 =	sld [smem:$0x3F9D];
	s0 =	simm.s32 @p0 $0x1  }
0x13: {  	[smem:$0x3FB8] =	sst s0;
	s0 =	simm.s32 @!p1 $0x0  }
0x14: {  	s2 =	sld [smem:$0x3F9C];
	s0 =	simm.s32 @p1 $0x1  }
0x15: {  	[smem:$0x3FB9] =	sst s0;
	s0 =	simm.s32 @!p2 $0x0  }
0x16: {  	s3 =	sld [smem:$0x3FDB];
	s0 =	simm.s32 @p2 $0x1  }
0x17: {  	s4 =	simm.s32 $0x1BF5;
	[smem:$0x3FBB] =	sst s0  }
0x18: {  	s0 =	sld [smem:$0x3F9E];
	_ =	swait.ge [sflag:s4], $0x0  }
0x19: {  	s7 =	sld [smem:$0x3F9F]  }
0x1a: {  	s8 =	sadd.s32 $0xFFFFE003, lr  }
0x1b: {  	s9 =	sadd.s32 $0xFFFFFEF7, lr;
	s5 =	simm.s32 $0xFFFFFFFF;
	p2 =	slt.u32 s8, $0xFFFFF086  }
0x1c: {  	p1 =	slt.u32 s9, $0xF7A;
	s5 =	simm.s32 @!p2 $0x0  }
0x1d: {  	s5 =	simm.s32 @p1 $0x1;
	p0 =	seq.s32 s7, s2  }
0x1e: {  	s7 =	smul.u32 @!p0 $0xF7A, s2;
	p2 =	seq.s32 @!p0 s5, $0x0  }
0x1f: {  	s9 =	smul.u32 $0xF7A, s1;
	s8 =	simm.s32 @!p0 $0x1BF5;
	p2 =	por !p2, p0  }
0x20: {  	[sflag:s8] =	ssyncset.s32 @!p0 $0xFFFFF086;
	s6 =	sadd.s32 @!p0 s3, s7;
	s7 =	simm.s32 @!p0 $0x108  }
0x21: {  	s3 =	sadd.s32 s3, s9;
	s6 =	sadd.s32 @!p0 $0x88, s6;
	s7 =	simm.s32 @p2 $0x1082  }
0x22: {  	[simem:s7], [sflag:s8] =	dma.local @!p0 [hbm:s6], $0xF7A  }
0x23: {  	s9 =	sor.u32 $0xD0000000, s2;
	s6 =	simm.s32 $0x108;
	_ =	swait.ge @!p0 [sflag:s8], $0x0  }
0x24: {  	s3 =	sadd.s32 $0x88, s3;
	s6 =	simm.s32 @!p1 $0x1082;
	[sflag:s4] =	ssyncset.s32 $0xFFFFF086  }
0x25: {  	[simem:s6], [sflag:s4] =	dma.local [hbm:s3], $0xF7A  }
0x26: {  	[smem:$0x3F9F] =	sst s1;
	(tag) =	ssettag s2;
	_ =	strace s9  }
0x27: {  	s1 =	sld [smem:$0x3FAF]  }
0x28: {  	s2 =	sld [smem:$0x3FB0]  }
0x29: {  	s4 =	sld [smem:$0x3FB2]  }
0x2a: {  	p0 =	seq.s32 s5, $0x0;
	s5 =	sld [smem:$0x3FB3]  }
0x2b: {  	s6 =	sld [smem:$0x3FB4]  }
0x2c: {  	s7 =	sld [smem:$0x3FB5]  }
0x2d: {  	s3 =	simm.s32 $0x108;
	s8 =	sld [smem:$0x3FB6]  }
0x2e: {  	s3 =	simm.s32 @!p0 $0x1082;
	s9 =	sld [smem:$0x3FB7]  }
0x2f: {  	lr =	sadd.s32 s0, s3;
	s0 =	sld [smem:$0x3FAE]  }
0x30: {  	s3 =	sld [smem:$0x3FB1]  }
0x31: {  	[smem:$0x3FBA] =	sst s10  }
0x32: {  	s10 =	sld [smem:$0x3FB8];
	_ =	sdelay $0x3  }
0x33: {  	p0 =	seq.s32 s10, $0x1;
	s10 =	sld [smem:$0x3FBA];
	_ =	sdelay $0x3  }
0x34: {  	[smem:$0x3FBA] =	sst s10  }
0x35: {  	s10 =	sld [smem:$0x3FB9];
	_ =	sdelay $0x3  }
0x36: {  	p1 =	seq.s32 s10, $0x1;
	s10 =	sld [smem:$0x3FBA];
	_ =	sdelay $0x3  }
0x37: {  	[smem:$0x3FBA] =	sst s10  }
0x38: {  	s10 =	sld [smem:$0x3FBB]  }
0x39: {  	_ = 	snop;
	(pc) =	sbr.ind lr, $3  }
0x3a: {  	_ = 	snop  }
0x3b: {  	_ = 	snop  }
0x3c: {  	p2 =	seq.s32 s10, $0x1;
	s10 =	sld [smem:$0x3FBA]  }
0x3d: {  	_ =	shalt  }
0x3e: {  	_ =	shalt  }
0x3f: {  	_ =	shalt  }
0x40: {  	_ =	shalt  }
0x41: {  	_ =	shalt  }
0x42: {  	_ =	shalt  }
0x43: {  	_ =	shalt  }
0x44: {  	_ =	shalt  }
0x45: {  	_ =	shalt  }
0x46: {  	_ =	shalt  }
0x47: {  	_ =	shalt  }
0x48: {  	_ =	shalt  }
0x49: {  	_ =	shalt  }
0x4a: {  	_ =	shalt  }
0x4b: {  	_ =	shalt  }
0x4c: {  	_ =	shalt  }
0x4d: {  	_ =	shalt  }
0x4e: {  	_ =	shalt  }
0x4f: {  	_ =	shalt  }
0x50: {  	_ =	shalt  }
0x51: {  	_ =	shalt  }
0x52: {  	_ =	shalt  }
0x53: {  	_ =	shalt  }
0x54: {  	_ =	shalt  }
0x55: {  	_ =	shalt  }
0x56: {  	_ =	shalt  }
0x57: {  	_ =	shalt  }
0x58: {  	_ =	shalt  }
0x59: {  	_ =	shalt  }
0x5a: {  	_ =	shalt  }
0x5b: {  	_ =	shalt  }
0x5c: {  	_ =	shalt  }
0x5d: {  	_ =	shalt  }
0x5e: {  	_ =	shalt  }
0x5f: {  	_ =	shalt  }
0x60: {  	_ =	shalt  }
0x61: {  	_ =	shalt  }
0x62: {  	_ =	shalt  }
0x63: {  	_ =	shalt  }
0x64: {  	_ =	shalt  }
0x65: {  	_ =	shalt  }
0x66: {  	_ =	shalt  }
0x67: {  	_ =	shalt  }
0x68: {  	_ =	shalt  }
0x69: {  	_ =	shalt  }
0x6a: {  	_ =	shalt  }
0x6b: {  	_ =	shalt  }
0x6c: {  	_ =	shalt  }
0x6d: {  	_ =	shalt  }
0x6e: {  	_ =	shalt  }
0x6f: {  	_ =	shalt  }
0x70: {  	_ =	shalt  }
0x71: {  	_ =	shalt  }
0x72: {  	_ =	shalt  }
0x73: {  	_ =	shalt  }
0x74: {  	_ =	shalt  }
0x75: {  	_ =	shalt  }
0x76: {  	_ =	shalt  }
0x77: {  	_ =	shalt  }
0x78: {  	_ =	shalt  }
0x79: {  	_ =	shalt  }
0x7a: {  	_ =	shalt  }
0x7b: {  	_ =	shalt  }
0x7c: {  	_ =	shalt  }
0x7d: {  	_ =	shalt  }
0x7e: {  	_ =	shalt  }
0x7f: {  	_ =	shalt  }
0x80: {  	_ =	shalt  }
0x81: {  	_ =	shalt  }
0x82: {  	_ =	shalt  }
0x83: {  	_ =	shalt  }
0x84: {  	_ =	shalt  }
0x85: {  	_ =	shalt  }
0x86: {  	_ =	shalt  }
0x87: {  	_ =	shalt  }
.Lfunc_end0:
.L_simem_size_0:
called_computation_lowered:
.L_overlay_start_0:
0x88: {  	s2 =	sld [smem:$0x3FD9]  }
0x89: {  	s3 =	sld [smem:$0x3FFE];
	_ =	sdelay $0x1  }
0x8a: {  	s1 =	srdreg.scid  }
0x8b: {  	s0 =	sand.u32 $0x1, s1  }
0x8c: {  	s17 =	sshll.u32 s0, $0xA;
	s2 =	sadd.s32 s3, s2  }
0x8d: {  	s2 =	sadd.s32 s2, s17  }
0x8e: {  	[smem:$0x3FC6] =	sst s2  }
0x8f: {  	_ = 	snop  }
0x90: {  	s2 =	sld [smem:$0x3FC9]  }
0x91: {  	s18 =	sld [smem:$0x3FC8];
	(tm) =	ssettm $0x1  }
0x92: {  	s4 =	sld [smem:$0x3FFB];
	_ =	sdelay $0x3  }
0x93: {  	_ =	strace s4  }
0x94: {  	s4 =	sld [smem:$0x3FFC];
	_ =	sdelay $0x3  }
0x95: {  	_ =	strace s4  }
0x96: {  	s4 =	sld [smem:$0x3FFD];
	_ =	sdelay $0x3  }
0x97: {  	_ =	strace s4  }
0x98: {  	_ =	strace $0x8FFFFFFF  }
0x99: {  	s19 =	sld [smem:$0x3FDB];
	_ =	sdelay $0x1  }
0x9a: {  	s5 =	simm.s32 $_scs_section_size  }
0x9b: {  	s6 =	simm.s32 $_size__tile_overlayer_lowered;
	s7 =	simm.s32 $_tile_overlayer_lowered  }
0x9c: {  	s22 =	simm.s32 $0x1BFF;
	s21 =	sshll.u32 s7, $0x1;
	s4 =	sadd.s32 s5, s19  }
0x9d: {  	s8 =	simm.s32 $0x0;
	s20 =	sshll.u32 s6, $0x1;
	s6 =	sadd.s32 s21, s4  }
0x9e: {  	[timem:s8], [sflag:s22] =	dma.local [hbm:s6], s20  }
0x9f: {  	_ =	swait.ge [sflag:s22], s20  }
0xa0: {  	s5 =	ssub.s32 $0x0, s20;
	[sflag:s22] =	ssyncset.done $0x0  }
0xa1: {  	[sflag:s22] =	ssyncadd.s32 s5;
	_ =	sdelay $0x1  }
0xa2: {  	s23 =	simm.s32 $0x1B8B  }
0xa3: {  	_ =	swait.ge [sflag:s23], $0x1  }
0xa4: {  	[sflag:s23] =	ssyncset.done $0x0  }
0xa5: {  	s25 =	simm.s32 $0x1B8E;
	s24 =	sld [smem:$0x3FFE];
	[sflag:s23] =	ssyncadd.s32 $0xFFFFFFFF  }
0xa6: {  	s26 =	simm.s32 $execute0_lowered;
	[smem:$0x3FD2] =	sst s25  }
0xa7: {  	s6 =	sshll.u32 s26, $0x1;
	_ =	strace $0x80000046;
	[dreg:$0x1] =	wrdreg $0xFFFFFFFF  }
0xa8: {  	s28 =	simm.s32 $_size_execute0_lowered;
	s4 =	sadd.s32 s4, s6;
	[dreg:$0x0] =	wrdreg $0x0  }
0xa9: {  	s6 =	sshll.u32 s28, $0x1;
	[dreg:$0x2] =	wrdreg s4  }
0xaa: {  	[dreg:$0x3] =	wrdreg s6  }
0xab: {  	[dreg:$0x4] =	wrdreg $0xC0  }
0xac: {  	_ =	task [dreg:s8], $0x5FFFF  }
0xad: {  	[dreg:$0x1] =	wrdreg $0xFFFFFFFF  }
0xae: {  	[dreg:$0x0] =	wrdreg $0x60  }
0xaf: {  	[dreg:$0x2] =	wrdreg s2  }
0xb0: {  	[dreg:$0x3] =	wrdreg s18  }
0xb1: {  	[dreg:$0x4] =	wrdreg s24  }
0xb2: {  	[dreg:$0x5] =	wrdreg $0x9  }
0xb3: {  	_ =	task.clear_ibuf [dreg:s8], $0x6FFFF;
	_ =	strace $0x90000046  }
0xb4: {  	s29 =	simm.s32 $0x9;
	_ =	strace $0x80000048  }
0xb5: {  	_ =	swait.ge [sflag:s29], $0x1  }
0xb6: {  	[sflag:s29] =	ssyncadd.s32 $0xFFFFFFFF  }
0xb7: {  	_ =	strace $0x90000048  }
0xb8: {  	_ =	sfence  }
0xb9: {  	s30 =	sld [smem:$0x0];
	_ =	sdelay $0x2  }
0xba: {  	s31 =	sshll.u32 s1, $0xD;
	s1 =	sshrl.u32 s1, $0x2  }
0xbb: {  	s3 =	sand.u32 $0x4000, s31;
	s1 =	sadd.s32 s1, s30  }
0xbc: {  	s0 =	sor.u32 s3, s0;
	s1 =	sshll.u32 s1, $0x11  }
0xbd: {  	s0 =	sor.u32 s1, s0  }
0xbe: {  	s0 =	sadd.s32 $0x8F2B, s0  }
0xbf: {  	[sflag:s0] =	ssyncadd.remote.s32 $0x1  }
0xc0: {  	_ =	sfence.sel $0xFFFF  }
0xc1: {  	[dreg:$0x0] =	wrdreg $0xFFFFFFFF;
	(pc) =	sbr.abs _section_cstart, $3  }
0xc2: {  	[dreg:$0x1] =	wrdreg $0xFFFFFFFF  }
0xc3: {  	_ =	task.clear_ibuf [dreg:s8], $0x2FFFF;
	_ =	strace $0x9FFFFFFF  }
0xc4: {  	(tm) =	ssettm $0x7FFFFFFF  }
0xc5: {  	_ =	shalt  }
tec
execute0_lowered:
.L_overlay_start_1:
0x0: {  	(tag) =	ssettag $0x1  }
0x1: {  	s0 =	srdreg.scid;
	s2 =	stileid.u32  }
0x2: {  	s3 =	rddreg [dreg:$0x0];
	s0 =	sand.u32 $0x1, s0;
	s2 =	sshll.u32 s2, $0x1  }
0x3: {  	s1 =	rddreg [dreg:$0x2];
	s31 =	simm.s32 $0x0;
	s2 =	sor.u32 s0, s2  }
0x4: {  	[smem:$0x7FF] =	sst s31;
	s1 =	sadd.s32 $0x400, s1;
	s4 =	smul.u32 $0x6400, s2  }
0x5: {  	_ =	strace $0x80000047;
	[dreg:$0x5] =	wrdreg s1  }
0x6: {  	s0 =	ssub.s32 $0x2, s0;
	s5 =	sor.u32 $0xA0, s4;
	[dreg:$0x4] =	wrdreg s4  }
0x7: {  	s25 =	sshrl.u32 s0, $0x1;
	s29 =	sor.u32 $0x140, s4;
	[dreg:$0x6] =	wrdreg s5  }
0x8: {  	s0 =	ssub.s32 s0, s25;
	s30 =	sor.u32 $0x1E0, s4;
	[dreg:$0x9] =	wrdreg s29  }
0x9: {  	s2 =	sshrl.u32 s4, $0x3;
	s0 =	smax.u32 s0, $0x1;
	[dreg:$0xa] =	wrdreg s30  }
0xa: {  	s8 =	sshrl.u32 s5, $0x3;
	s26 =	sadd.s32 s3, s2;
	[dreg:$0xb] =	wrdreg s0  }
0xb: {  	[dreg:$0x7] =	wrdreg s26;
	s28 =	sadd.s32 s3, s8  }
0xc: {  	s2 =	simm.s32 $0x0;
	[dreg:$0x8] =	wrdreg s28  }
.LBB2_1:
0xd: {  	[dreg:$0xc] =	wrdreg s2  }
0xe: {  	s0 =	rddreg [dreg:$0x7];
	s24 =	simm.s32 $0x1  }
0xf: {  	[tilespmem:s31], [sflag:$0x1] =	stream.linear.gather [hbm4b:s0+s31], $0xA0, $0x38;
	[tilespmem:$0x14600] =	vst v63  }
0x10: {  	_ =	swait.ge [sflag:s24], $0xA0  }
0x11: {  	[sflag:s24] =	ssyncset.done $0x0  }
0x12: {  	s1 =	simm.s32 $0x100;
	s25 =	rddreg [dreg:$0x8];
	[sflag:s24] =	ssyncadd.s32 $0xFFFFFF60  }
0x13: {  	[tilespmem:s1], [sflag:$0x1] =	stream.linear.gather [hbm4b:s25+s31], $0xA0, $0x38;
	[tilespmem:$0x14600] =	vst v63  }
0x14: {  	v0 =	vld [tilespmem:$0x0]  }
0x15: {  	v1 =	vld [tilespmem:$0x10]  }
0x16: {  	v2 =	vld [tilespmem:$0x20]  }
0x17: {  	v37 =	vld [tilespmem:$0x30]  }
0x18: {  	v40 =	vld [tilespmem:$0x40]  }
0x19: {  	v43 =	vld [tilespmem:$0x50];
	v3 =	vshrl.u32 v0, $0x1  }
0x1a: {  	v46 =	vld [tilespmem:$0x60];
	v38 =	vshrl.u32 v1, $0x1;
	[tilespmem:$0x200] =	vst v3  }
0x1b: {  	v49 =	vld [tilespmem:$0x70];
	v41 =	vshrl.u32 v2, $0x1;
	[tilespmem:$0x210] =	vst v38  }
0x1c: {  	v52 =	vld [tilespmem:$0x80];
	v44 =	vshrl.u32 v37, $0x1;
	[tilespmem:$0x220] =	vst v41  }
0x1d: {  	v55 =	vld [tilespmem:$0x90];
	v47 =	vshrl.u32 v40, $0x1;
	[tilespmem:$0x230] =	vst v44  }
0x1e: {  	v50 =	vshrl.u32 v43, $0x1;
	[tilespmem:$0x240] =	vst v47  }
0x1f: {  	v53 =	vshrl.u32 v46, $0x1;
	[tilespmem:$0x250] =	vst v50  }
0x20: {  	v56 =	vshrl.u32 v49, $0x1;
	[tilespmem:$0x260] =	vst v53  }
0x21: {  	v58 =	vshrl.u32 v52, $0x1;
	[tilespmem:$0x270] =	vst v56  }
0x22: {  	v0 =	vshll.u32 v0, $0x6;
	v61 =	vshrl.u32 v55, $0x1;
	[tilespmem:$0x280] =	vst v58  }
0x23: {  	v1 =	vshll.u32 v1, $0x6;
	v0 =	vand.u32 $0x40, v0;
	[tilespmem:$0x290] =	vst v61  }
0x24: {  	v2 =	vshll.u32 v2, $0x6;
	v39 =	vand.u32 $0x40, v1;
	[tilespmem:$0x400] =	vst v0  }
0x25: {  	v59 =	vshll.u32 v52, $0x6;
	v42 =	vand.u32 $0x40, v2;
	[tilespmem:$0x410] =	vst v39  }
0x26: {  	v62 =	vshll.u32 v55, $0x6;
	v60 =	vand.u32 $0x40, v59;
	[tilespmem:$0x420] =	vst v42  }
0x27: {  	v3 =	vshll.u32 v37, $0x6;
	v63 =	vand.u32 $0x40, v62;
	[tilespmem:$0x480] =	vst v60  }
0x28: {  	v1 =	vshll.u32 v40, $0x6;
	v45 =	vand.u32 $0x40, v3;
	[tilespmem:$0x490] =	vst v63  }
0x29: {  	v2 =	vshll.u32 v43, $0x6;
	v48 =	vand.u32 $0x40, v1;
	[tilespmem:$0x430] =	vst v45  }
0x2a: {  	v51 =	vand.u32 $0x40, v2;
	v3 =	vshll.u32 v46, $0x6;
	[tilespmem:$0x440] =	vst v48  }
0x2b: {  	v1 =	vshll.u32 v49, $0x6;
	[tilespmem:$0x450] =	vst v51;
	v54 =	vand.u32 $0x40, v3  }
0x2c: {  	s28 =	simm.s32 $0x50;
	v57 =	vand.u32 $0x40, v1;
	[tilespmem:$0x460] =	vst v54  }
0x2d: {  	s29 =	simm.s32 $0x200;
	s3 =	simm.s32 $0x600;
	s26 =	rddreg [dreg:$0x1];
	[tilespmem:$0x470] =	vst v57  }
0x2e: {  	[tilespmem:s3], [sflag:$0x2] =	stream.indirect.gather [hbm4b:s26+s28], $0x80, s29, s28, $0xb8;
	[tilespmem:$0x14600] =	vst v63  }
0x2f: {  	s30 =	simm.s32 $0x250;
	s2 =	simm.s32 $0x0;
	s31 =	simm.s32 $0x2E00  }
0x30: {  	[tilespmem:s31], [sflag:$0x2] =	stream.indirect.gather [hbm4b:s26+s28], $0x80, s30, s28, $0xb8;
	[tilespmem:$0x14600] =	vst v63  }
.LBB2_2:
0x31: {  	s1 =	simm.s32 $0x1  }
0x32: {  	s8 =	smul.u32 $0x140, s2;
	_ =	swait.ge [sflag:s1], $0xA0  }
0x33: {  	p1 =	seq.s32 s2, $0x4F;
	s0 =	rddreg [dreg:$0x9];
	[sflag:s1] =	ssyncset.done $0x0  }
0x34: {  	s0 =	sadd.s32 @!p1 s8, s0;
	[sflag:s1] =	ssyncadd.s32 $0xFFFFFF60  }
0x35: {  	s0 =	sshrl.u32 @!p1 s0, $0x3;
	s1 =	rddreg [dreg:$0x0]  }
0x36: {  	s0 =	sadd.s32 @!p1 s1, s0;
	s1 =	simm.s32 @!p1 $0x0  }
0x37: {  	[tilespmem:s1], [sflag:$0x1] =	stream.linear.gather @!p1 [hbm4b:s0+s1], $0xA0, $0x38;
	[tilespmem:$0x14600] =	vst v63  }
0x38: {  	v0 =	vld [tilespmem:$0x100];
	_ =	sdelay $0x1  }
0x39: {  	v1 =	vld [tilespmem:$0x110];
	_ =	sdelay $0x1  }
0x3a: {  	v2 =	vld [tilespmem:$0x120]  }
0x3b: {  	v3 =	vshrl.u32 v0, $0x1;
	v0 =	vshll.u32 v0, $0x6  }
0x3c: {  	[tilespmem:$0x300] =	vst v3;
	v0 =	vand.u32 $0x40, v0;
	v3 =	vld [tilespmem:$0x130]  }
0x3d: {  	[tilespmem:$0x500] =	vst v0;
	v0 =	vshrl.u32 v1, $0x1;
	v1 =	vshll.u32 v1, $0x6  }
0x3e: {  	[tilespmem:$0x310] =	vst v0;
	v0 =	vand.u32 $0x40, v1;
	v1 =	vld [tilespmem:$0x140]  }
0x3f: {  	[tilespmem:$0x510] =	vst v0;
	v0 =	vshrl.u32 v2, $0x1;
	v2 =	vshll.u32 v2, $0x6  }
0x40: {  	[tilespmem:$0x320] =	vst v0;
	v0 =	vand.u32 $0x40, v2;
	v2 =	vld [tilespmem:$0x150]  }
0x41: {  	[tilespmem:$0x520] =	vst v0;
	v0 =	vshrl.u32 v3, $0x1;
	v3 =	vshll.u32 v3, $0x6  }
0x42: {  	[tilespmem:$0x330] =	vst v0;
	v0 =	vand.u32 $0x40, v3;
	v3 =	vld [tilespmem:$0x160]  }
0x43: {  	[tilespmem:$0x530] =	vst v0;
	v0 =	vshrl.u32 v1, $0x1;
	v1 =	vshll.u32 v1, $0x6  }
0x44: {  	[tilespmem:$0x340] =	vst v0;
	v0 =	vand.u32 $0x40, v1;
	v1 =	vld [tilespmem:$0x170]  }
0x45: {  	[tilespmem:$0x540] =	vst v0;
	v0 =	vshrl.u32 v2, $0x1;
	v2 =	vshll.u32 v2, $0x6  }
0x46: {  	[tilespmem:$0x350] =	vst v0;
	v0 =	vand.u32 $0x40, v2;
	v2 =	vld [tilespmem:$0x180]  }
0x47: {  	[tilespmem:$0x550] =	vst v0;
	v0 =	vshrl.u32 v3, $0x1;
	v3 =	vshll.u32 v3, $0x6  }
0x48: {  	[tilespmem:$0x360] =	vst v0;
	v0 =	vand.u32 $0x40, v3;
	v3 =	vld [tilespmem:$0x190]  }
0x49: {  	[tilespmem:$0x560] =	vst v0;
	v0 =	vshrl.u32 v1, $0x1;
	v1 =	vshll.u32 v1, $0x6  }
0x4a: {  	[tilespmem:$0x370] =	vst v0;
	v0 =	vand.u32 $0x40, v1  }
0x4b: {  	[tilespmem:$0x570] =	vst v0;
	v0 =	vshrl.u32 v2, $0x1;
	v1 =	vshll.u32 v2, $0x6  }
0x4c: {  	[tilespmem:$0x380] =	vst v0;
	v0 =	vand.u32 $0x40, v1  }
0x4d: {  	[tilespmem:$0x580] =	vst v0;
	v0 =	vshrl.u32 v3, $0x1;
	v1 =	vshll.u32 v3, $0x6  }
0x4e: {  	s21 =	simm.s32 $0x50;
	[tilespmem:$0x390] =	vst v0;
	v0 =	vand.u32 $0x40, v1  }
0x4f: {  	s3 =	simm.s32 $0x300;
	s4 =	simm.s32 $0x5600;
	s20 =	rddreg [dreg:$0x1];
	[tilespmem:$0x590] =	vst v0  }
0x50: {  	[tilespmem:s4], [sflag:$0x3] =	stream.indirect.gather [hbm4b:s20+s21], $0x80, s3, s21, $0xb8;
	[tilespmem:$0x14600] =	vst v63  }
0x51: {  	s22 =	simm.s32 $0x350;
	s23 =	simm.s32 $0x7E00;
	s24 =	simm.s32 $0x2  }
0x52: {  	[tilespmem:s23], [sflag:$0x3] =	stream.indirect.gather [hbm4b:s20+s21], $0x80, s22, s21, $0xb8;
	[tilespmem:$0x14600] =	vst v63  }
0x53: {  	_ =	swait.ge [sflag:s24], $0x2800  }
0x54: {  	[sflag:s24] =	ssyncset.done $0x0  }
0x55: {  	[sflag:s24] =	ssyncadd.s32 $0xFFFFD800  }
0x56: {  	_ =	swait.ge [sflag:s24], $0x2800  }
0x57: {  	p0 =	seq.s32 s2, $0x0;
	[sflag:s24] =	ssyncset.done $0x0  }
0x58: {  	s0 =	simm.s32 @!p0 $0x4;
	[sflag:s24] =	ssyncadd.s32 $0xFFFFD800  }
0x59: {  	_ =	swait.ge @!p0 [sflag:s0], $0x5000  }
0x5a: {  	[sflag:s0] =	ssyncset.done @!p0 $0x0  }
0x5b: {  	s25 =	simm.s32 $0x404;
	[sflag:s0] =	ssyncadd.s32 @!p0 $0xFFFFB000  }
0x5c: {  	v0 =	vld [tilespmem:s25+$0x3]  }
0x5d: {  	v1 =	vld [tilespmem:s25+$0xFFFFFFFD];
	_ =	sdelay $0x1  }
0x5e: {  	v2 =	vld [tilespmem:s25+$0xFFFFFFFE];
	_ =	sdelay $0x1  }
0x5f: {  	(v2sf) =	vpush v0, $0x0  }
0x60: {  	v3 =	vld [tilespmem:s25+$0xFFFFFFFF];
	(v2sf) =	vpush v1, $0x0;
	_ =	sdelay $0x1  }
0x61: {  	(v2sf) =	vpush v2, $0x0  }
0x62: {  	v4 =	vld [tilespmem:s25+$0x0];
	_ =	sdelay $0x1  }
0x63: {  	v5 =	vld [tilespmem:s25+$0x1];
	(v2sf) =	vpush v3, $0x0;
	_ =	sdelay $0x1  }
0x64: {  	v0 =	vld [tilespmem:s25+$0x2]  }
0x65: {  	(v2sf) =	vpush v4, $0x0  }
0x66: {  	v1 =	vld [tilespmem:s25+$0xFFFFFFFC]  }
0x67: {  	(v2sf) =	vpush v5, $0x0;
	_ =	sdelay $0x1  }
0x68: {  	(v2sf) =	vpush v0, $0x0;
	_ =	sdelay $0x1  }
0x69: {  	(v2sf) =	vpush v1, $0x0;
	s26 =	spop (v2sf)  }
0x6a: {  	s12 =	simm.s32 $0x0;
	s29 =	spop (v2sf);
	s7 =	sand.u32 $0x7F, s26  }
0x6b: {  	s9 =	sshll.u32 s26, $0x2;
	s10 =	sadd.s32 $0x10, s26;
	s13 =	sadd.s32 $0x20, s26  }
0x6c: {  	s1 =	sadd.s32 $0x30, s26;
	s30 =	spop (v2sf);
	s9 =	sand.u32 $0xFFFFFE00, s9  }
0x6d: {  	s0 =	sshll.u32 s7, $0x2;
	s21 =	sand.u32 $0x7F, s29;
	s22 =	sshll.u32 s29, $0x2  }
0x6e: {  	s11 =	sand.u32 $0x7F, s10;
	s24 =	sshll.u32 s13, $0x2;
	s26 =	sand.u32 $0x7F, s1  }
0x6f: {  	s1 =	sshll.u32 s1, $0x2;
	s31 =	spop (v2sf);
	s0 =	sor.u32 s0, s9  }
0x70: {  	s11 =	sshll.u32 s11, $0x2;
	s23 =	sand.u32 $0x7F, s30;
	s25 =	sshll.u32 s30, $0x2  }
0x71: {  	s3 =	sand.u32 $0xFFFFFE00, s24;
	s1 =	sand.u32 $0xFFFFFE00, s1;
	s24 =	sand.u32 $0xFFFFFE00, s22  }
0x72: {  	s21 =	sshll.u32 s21, $0x2;
	s14 =	spop (v2sf);
	s0 =	sshra.s32 s0, $0x2  }
0x73: {  	s28 =	sand.u32 $0x7F, s31;
	s7 =	sshll.u32 s31, $0x2;
	s23 =	sshll.u32 s23, $0x2  }
0x74: {  	s16 =	spop (v2sf);
	s9 =	sadd.s32 $0x0, s0;
	s0 =	sshll.u32 s10, $0x2  }
0x75: {  	s5 =	sand.u32 $0x7F, s14;
	s10 =	sshll.u32 s14, $0x2;
	s7 =	sand.u32 $0xFFFFFE00, s7  }
0x76: {  	s17 =	spop (v2sf);
	s0 =	sand.u32 $0xFFFFFE00, s0;
	s4 =	sand.u32 $0x7F, s16  }
0x77: {  	s15 =	sshll.u32 s16, $0x2;
	s10 =	sand.u32 $0xFFFFFE00, s10;
	s5 =	sshll.u32 s5, $0x2  }
0x78: {  	s18 =	spop (v2sf);
	s0 =	sor.u32 s11, s0;
	s11 =	sand.u32 $0x7F, s13  }
0x79: {  	s13 =	sshll.u32 s28, $0x2;
	s15 =	sand.u32 $0xFFFFFE00, s15;
	s4 =	sshll.u32 s4, $0x2  }
0x7a: {  	s5 =	sor.u32 s5, s10;
	s19 =	sand.u32 $0x7F, s18;
	s20 =	sshll.u32 s18, $0x2  }
0x7b: {  	s0 =	sshra.s32 s0, $0x2;
	s11 =	sshll.u32 s11, $0x2;
	s7 =	sor.u32 s13, s7  }
0x7c: {  	s4 =	sor.u32 s4, s15;
	s15 =	sadd.s32 $0x10, s30;
	s5 =	sshra.s32 s5, $0x2  }
0x7d: {  	s0 =	sadd.s32 $0x0, s0;
	s6 =	sand.u32 $0xFFFFFE00, s20;
	s11 =	sor.u32 s11, s3  }
0x7e: {  	s19 =	sshll.u32 s19, $0x2;
	s3 =	sshll.u32 s26, $0x2;
	s26 =	sand.u32 $0xFFFFFE00, s25  }
0x7f: {  	s25 =	sadd.s32 $0x10, s29;
	s7 =	sshra.s32 s7, $0x2;
	s4 =	sshra.s32 s4, $0x2  }
0x80: {  	s5 =	sadd.s32 $0x0, s5;
	s20 =	sor.u32 s3, s1;
	s1 =	sand.u32 $0x7F, s17  }
0x81: {  	s19 =	sor.u32 s19, s6;
	s6 =	sshll.u32 s17, $0x2;
	s13 =	sand.u32 $0x7F, s25  }
0x82: {  	s10 =	sshll.u32 s25, $0x2;
	s11 =	sshra.s32 s11, $0x2;
	s7 =	sadd.s32 $0x0, s7  }
0x83: {  	s4 =	sadd.s32 $0x0, s4;
	s3 =	sand.u32 $0xFFFFFE00, s6;
	s1 =	sshll.u32 s1, $0x2  }
0x84: {  	s6 =	sor.u32 s21, s24;
	s21 =	sor.u32 s23, s26;
	s24 =	sadd.s32 $0x10, s18  }
0x85: {  	s23 =	sadd.s32 $0x10, s31;
	s10 =	sand.u32 $0xFFFFFE00, s10;
	s25 =	sshll.u32 s13, $0x2  }
0x86: {  	s11 =	sadd.s32 $0x0, s11;
	s19 =	sshra.s32 s19, $0x2;
	s1 =	sor.u32 s1, s3  }
0x87: {  	s26 =	sand.u32 $0x7F, s24;
	s3 =	sshll.u32 s24, $0x2;
	s10 =	sor.u32 s25, s10  }
0x88: {  	s24 =	sand.u32 $0x7F, s15;
	s15 =	sshll.u32 s15, $0x2;
	s6 =	sshra.s32 s6, $0x2  }
0x89: {  	s21 =	sshra.s32 s21, $0x2;
	s3 =	sand.u32 $0xFFFFFE00, s3;
	s22 =	sshll.u32 s26, $0x2  }
0x8a: {  	s26 =	sand.u32 $0x7F, s23;
	s15 =	sand.u32 $0xFFFFFE00, s15;
	s25 =	sshll.u32 s24, $0x2  }
0x8b: {  	v0 =	vld [tilespmem:s9+$0x980];
	s23 =	sshll.u32 s23, $0x2;
	s24 =	sadd.s32 $0x10, s16;
	s6 =	sadd.s32 $0x0, s6  }
0x8c: {  	s3 =	sor.u32 s22, s3;
	s22 =	sadd.s32 $0x10, s14;
	s15 =	sor.u32 s25, s15  }
0x8d: {  	s23 =	sand.u32 $0xFFFFFE00, s23;
	s9 =	sshll.u32 s26, $0x2;
	s26 =	sadd.s32 $0x10, s17  }
0x8e: {  	s28 =	sand.u32 $0x7F, s24;
	s13 =	sand.u32 $0x7F, s22;
	s22 =	sshll.u32 s22, $0x2  }
0x8f: {  	s23 =	sor.u32 s9, s23;
	s9 =	sshll.u32 s24, $0x2;
	s24 =	sshll.u32 s26, $0x2  }
0x90: {  	[tilespmem:s12+$0xA980] =	vst v0;
	s22 =	sand.u32 $0xFFFFFE00, s22;
	s25 =	sshll.u32 s13, $0x2;
	s13 =	sand.u32 $0x7F, s26  }
0x91: {  	v0 =	vld [tilespmem:s0+$0x980];
	s9 =	sand.u32 $0xFFFFFE00, s9;
	s26 =	sshll.u32 s28, $0x2;
	s0 =	sand.u32 $0xFFFFFE00, s24  }
0x92: {  	s22 =	sor.u32 s25, s22;
	s25 =	sor.u32 s26, s9;
	s24 =	sshll.u32 s13, $0x2  }
0x93: {  	s26 =	sshra.s32 s20, $0x2;
	s20 =	sor.u32 s24, s0;
	s24 =	rddreg [dreg:$0x6]  }
0x94: {  	s1 =	sshra.s32 s1, $0x2;
	s10 =	sshra.s32 s10, $0x2;
	s0 =	sadd.s32 s8, s24  }
0x95: {  	s1 =	sadd.s32 $0x0, s1;
	s10 =	sadd.s32 $0x0, s10;
	[dreg:$0xd] =	wrdreg s0  }
0x96: {  	s3 =	sshra.s32 s3, $0x2;
	s15 =	sshra.s32 s15, $0x2;
	s23 =	sshra.s32 s23, $0x2;
	[tilespmem:s12+$0xA990] =	vst v0  }
0x97: {  	s3 =	sadd.s32 $0x0, s3;
	s13 =	sadd.s32 $0x0, s26;
	s22 =	sshra.s32 s22, $0x2;
	v0 =	vld [tilespmem:s11+$0x980]  }
0x98: {  	s24 =	sshra.s32 s25, $0x2;
	s20 =	sshra.s32 s20, $0x2;
	s0 =	sadd.s32 $0x0, s19  }
0x99: {  	s25 =	sadd.s32 $0x20, s18;
	s19 =	sadd.s32 $0x0, s21;
	s21 =	sadd.s32 $0x0, s22;
	v1 =	vld [tilespmem:s0+$0x600]  }
0x9a: {  	s22 =	sshll.u32 s25, $0x2;
	v2 =	vld [tilespmem:s6+$0x680];
	s6 =	sadd.s32 $0x0, s20;
	s0 =	sand.u32 $0x7F, s25  }
0x9b: {  	v3 =	vld [tilespmem:s19+$0x700];
	s22 =	sand.u32 $0xFFFFFE00, s22;
	s26 =	rddreg [dreg:$0x4];
	s11 =	sadd.s32 $0x0, s24  }
0x9c: {  	v60 =	vld [tilespmem:s7+$0x780];
	s24 =	sadd.s32 $0x20, s30;
	s20 =	sshll.u32 s0, $0x2;
	s0 =	sadd.s32 $0x20, s31;
	[tilespmem:s12+$0xA9A0] =	vst v0  }
0x9d: {  	s9 =	sadd.s32 s26, s8;
	s26 =	sadd.s32 $0x20, s29;
	s7 =	sor.u32 s20, s22;
	v0 =	vld [tilespmem:s13+$0x980]  }
0x9e: {  	v61 =	vld [tilespmem:s4+$0x880];
	s19 =	sshll.u32 s24, $0x2;
	s25 =	sand.u32 $0x7F, s26;
	s26 =	sshll.u32 s26, $0x2  }
0x9f: {  	s19 =	sand.u32 $0xFFFFFE00, s19;
	s22 =	sand.u32 $0xFFFFFE00, s26;
	s20 =	sshll.u32 s25, $0x2;
	[tilespmem:s12+$0xA600] =	vst v1;
	v1 =	vld [tilespmem:s1+$0x900]  }
0xa0: {  	s7 =	sshra.s32 s7, $0x2;
	s26 =	sadd.s32 $0x20, s16;
	s4 =	sor.u32 s20, s22;
	[tilespmem:s12+$0xA680] =	vst v2;
	v2 =	vld [tilespmem:s3+$0x600]  }
0xa1: {  	s25 =	sand.u32 $0x7F, s0;
	[tilespmem:s12+$0xA700] =	vst v3;
	v3 =	vld [tilespmem:s10+$0x680];
	s10 =	sshll.u32 s26, $0x2;
	s4 =	sshra.s32 s4, $0x2  }
0xa2: {  	s13 =	sadd.s32 $0x0, s15;
	s15 =	sadd.s32 $0x0, s23;
	s23 =	sand.u32 $0x7F, s24;
	[tilespmem:s12+$0xA9B0] =	vst v0;
	v0 =	vld [tilespmem:s5+$0x800]  }
0xa3: {  	[tilespmem:s12+$0xA780] =	vst v60;
	s24 =	sadd.s32 $0x20, s14;
	s10 =	sand.u32 $0xFFFFFE00, s10;
	s20 =	sshll.u32 s23, $0x2  }
0xa4: {  	[tilespmem:s12+$0xA880] =	vst v61;
	v62 =	vld [tilespmem:s13+$0x700];
	s1 =	sshll.u32 s24, $0x2;
	s3 =	sor.u32 s20, s19;
	s19 =	sshll.u32 s25, $0x2  }
0xa5: {  	s1 =	sand.u32 $0xFFFFFE00, s1;
	s20 =	sand.u32 $0x7F, s26;
	s26 =	sadd.s32 $0x0, s7;
	[tilespmem:s12+$0xA900] =	vst v1;
	v1 =	vld [tilespmem:s11+$0x880]  }
0xa6: {  	s22 =	sshll.u32 s20, $0x2;
	s3 =	sshra.s32 s3, $0x2;
	s20 =	simm.s32 $0x40C;
	[tilespmem:s12+$0xA610] =	vst v2;
	v2 =	vld [tilespmem:s6+$0x900]  }
0xa7: {  	s6 =	sor.u32 s22, s10;
	s22 =	sadd.s32 $0x0, s3;
	s5 =	sshll.u32 s0, $0x2;
	[tilespmem:s12+$0xA800] =	vst v0;
	v0 =	vld [tilespmem:s15+$0x780]  }
0xa8: {  	[tilespmem:s12+$0xA690] =	vst v3;
	s0 =	sand.u32 $0x7F, s24;
	s28 =	sshra.s32 s6, $0x2;
	s5 =	sand.u32 $0xFFFFFE00, s5;
	v63 =	vld [tilespmem:s21+$0x800]  }
0xa9: {  	s13 =	sshll.u32 s0, $0x2;
	[tilespmem:s12+$0xA710] =	vst v62;
	s5 =	sor.u32 s19, s5;
	s19 =	sadd.s32 $0x20, s17  }
0xaa: {  	s1 =	sor.u32 s13, s1;
	[tilespmem:s12+$0xA890] =	vst v1;
	s15 =	sshll.u32 s19, $0x2;
	s21 =	sand.u32 $0x7F, s19  }
0xab: {  	s25 =	sshra.s32 s1, $0x2;
	[tilespmem:s12+$0xA910] =	vst v2;
	s23 =	sand.u32 $0xFFFFFE00, s15;
	s11 =	sshll.u32 s21, $0x2  }
0xac: {  	s19 =	simm.s32 $0x0;
	s21 =	sshra.s32 s5, $0x2;
	s24 =	sor.u32 s11, s23;
	[tilespmem:s12+$0xA790] =	vst v0  }
0xad: {  	s11 =	simm.s32 $0x0;
	s23 =	sadd.s32 $0x0, s4;
	s1 =	sshra.s32 s24, $0x2;
	v0 =	vld [tilespmem:s26+$0x600];
	[tilespmem:s12+$0xA810] =	vst v63  }
.LBB2_3:
0xae: {  	s11 =	sadd.s32 $0x8, s11;
	s3 =	sadd.s32 s12, s21;
	s25 =	sadd.s32 s12, s25  }
0xaf: {  	v1 =	vld [tilespmem:s20+$0x3];
	s21 =	smov.u32 s12;
	s4 =	sadd.s32 $0x30, s29;
	s5 =	sadd.s32 $0x30, s30  }
0xb0: {  	v2 =	vld [tilespmem:s20+$0xFFFFFFFD];
	p2 =	slt.u32 s11, $0x98;
	s28 =	sadd.s32 s21, s28;
	s12 =	sadd.s32 s21, s1  }
0xb1: {  	s6 =	sadd.s32 $0x30, s31;
	s7 =	sadd.s32 $0x30, s14;
	s1 =	sadd.s32 $0x30, s18;
	v3 =	vld [tilespmem:s20+$0xFFFFFFFE]  }
0xb2: {  	s10 =	sadd.s32 $0x30, s16;
	s14 =	sadd.s32 $0x30, s17;
	s19 =	sadd.s32 $0x1000, s19;
	v4 =	vld [tilespmem:s20+$0xFFFFFFFF]  }
0xb3: {  	s15 =	sand.u32 $0x7F, s4;
	s13 =	sand.u32 $0x7F, s1;
	s1 =	sshll.u32 s1, $0x2;
	v5 =	vld [tilespmem:s20+$0x0];
	[tilespmem:s21+$0xA620] =	vst v0  }
0xb4: {  	s4 =	sshll.u32 s4, $0x2;
	s16 =	sand.u32 $0x7F, s5;
	s5 =	sshll.u32 s5, $0x2;
	v0 =	vld [tilespmem:s20+$0x1];
	(v2sf) =	vpush v1, $0x0  }
0xb5: {  	s17 =	sand.u32 $0x7F, s6;
	s6 =	sshll.u32 s6, $0x2;
	s18 =	sand.u32 $0x7F, s7;
	v1 =	vld [tilespmem:s20+$0x2];
	(v2sf) =	vpush v2, $0x0  }
0xb6: {  	s7 =	sshll.u32 s7, $0x2;
	s29 =	sand.u32 $0x7F, s10;
	s10 =	sshll.u32 s10, $0x2;
	v2 =	vld [tilespmem:s20+$0xFFFFFFFC];
	(v2sf) =	vpush v3, $0x0  }
0xb7: {  	s4 =	sand.u32 $0xFFFFFE00, s4;
	(v2sf) =	vpush v4, $0x0;
	v3 =	vld [tilespmem:s23+$0x680];
	s23 =	sand.u32 $0x7F, s14;
	s14 =	sshll.u32 s14, $0x2  }
0xb8: {  	s15 =	sshll.u32 s15, $0x2;
	s1 =	sand.u32 $0xFFFFFE00, s1;
	s13 =	sshll.u32 s13, $0x2;
	(v2sf) =	vpush v5, $0x0;
	v4 =	vld [tilespmem:s22+$0x700]  }
0xb9: {  	s5 =	sand.u32 $0xFFFFFE00, s5;
	s16 =	sshll.u32 s16, $0x2;
	s7 =	sand.u32 $0xFFFFFE00, s7;
	(v2sf) =	vpush v0, $0x0;
	v0 =	vld [tilespmem:s3+$0x780]  }
0xba: {  	s10 =	sand.u32 $0xFFFFFE00, s10;
	s3 =	sand.u32 $0xFFFFFE00, s6;
	s6 =	sshll.u32 s17, $0x2;
	(v2sf) =	vpush v1, $0x0;
	v1 =	vld [tilespmem:s25+$0x800]  }
0xbb: {  	s4 =	sor.u32 s15, s4;
	s17 =	sshll.u32 s18, $0x2;
	s18 =	sshll.u32 s29, $0x2;
	(v2sf) =	vpush v2, $0x0;
	v2 =	vld [tilespmem:s28+$0x880]  }
0xbc: {  	s1 =	sor.u32 s13, s1;
	s13 =	sshll.u32 s23, $0x2;
	[tilespmem:s21+$0xA6A0] =	vst v3;
	v3 =	vld [tilespmem:s12+$0x900];
	s12 =	sand.u32 $0xFFFFFE00, s14  }
0xbd: {  	s5 =	sor.u32 s16, s5;
	s4 =	sshra.s32 s4, $0x2;
	s3 =	sor.u32 s6, s3;
	[tilespmem:s21+$0xA720] =	vst v4  }
0xbe: {  	s6 =	sor.u32 s17, s7;
	s7 =	sor.u32 s18, s10;
	s10 =	sor.u32 s13, s12;
	[tilespmem:s21+$0xA7A0] =	vst v0  }
0xbf: {  	s5 =	sshra.s32 s5, $0x2;
	s1 =	sshra.s32 s1, $0x2;
	s4 =	sadd.s32 s21, s4;
	[tilespmem:s21+$0xA820] =	vst v1  }
0xc0: {  	s3 =	sshra.s32 s3, $0x2;
	s6 =	sshra.s32 s6, $0x2;
	s7 =	sshra.s32 s7, $0x2;
	[tilespmem:s21+$0xA8A0] =	vst v2  }
0xc1: {  	s1 =	sadd.s32 s21, s1;
	s3 =	sadd.s32 s21, s3;
	s10 =	sshra.s32 s10, $0x2;
	[tilespmem:s21+$0xA920] =	vst v3  }
0xc2: {  	s12 =	sshra.s32 s19, $0x2;
	v0 =	vld [tilespmem:s1+$0x600];
	s1 =	sadd.s32 s21, s5;
	s5 =	sadd.s32 s21, s6  }
0xc3: {  	s6 =	sadd.s32 s21, s10;
	s22 =	spop (v2sf);
	v1 =	vld [tilespmem:s4+$0x680];
	s4 =	sadd.s32 s21, s7  }
0xc4: {  	s7 =	sand.u32 $0x7F, s22;
	s10 =	sshll.u32 s22, $0x2;
	s29 =	spop (v2sf);
	v2 =	vld [tilespmem:s1+$0x700]  }
0xc5: {  	s1 =	sand.u32 $0xFFFFFE00, s10;
	s7 =	sshll.u32 s7, $0x2;
	s30 =	spop (v2sf);
	v3 =	vld [tilespmem:s3+$0x780]  }
0xc6: {  	s3 =	sand.u32 $0x7F, s29;
	s1 =	sor.u32 s7, s1;
	s31 =	spop (v2sf);
	v4 =	vld [tilespmem:s5+$0x800]  }
0xc7: {  	s10 =	sand.u32 $0x7F, s30;
	s1 =	sshra.s32 s1, $0x2;
	s14 =	spop (v2sf);
	[tilespmem:s21+$0xA630] =	vst v0;
	v0 =	vld [tilespmem:s4+$0x880]  }
0xc8: {  	s3 =	sshll.u32 s3, $0x2;
	s1 =	sadd.s32 s12, s1;
	s16 =	spop (v2sf);
	[tilespmem:s21+$0xA6B0] =	vst v1;
	v1 =	vld [tilespmem:s6+$0x900]  }
0xc9: {  	s4 =	sshll.u32 s29, $0x2;
	v5 =	vld [tilespmem:s1+$0x980];
	s1 =	sadd.s32 $0x10, s22;
	s17 =	spop (v2sf);
	[tilespmem:s21+$0xA730] =	vst v2  }
0xca: {  	s5 =	sand.u32 $0x7F, s1;
	s1 =	sshll.u32 s1, $0x2;
	s18 =	spop (v2sf);
	[tilespmem:s21+$0xA7B0] =	vst v3  }
0xcb: {  	s6 =	sand.u32 $0x7F, s18;
	s1 =	sand.u32 $0xFFFFFE00, s1;
	s5 =	sshll.u32 s5, $0x2;
	[tilespmem:s21+$0xA830] =	vst v4  }
0xcc: {  	s13 =	sand.u32 $0x7F, s31;
	s7 =	sshll.u32 s18, $0x2;
	s1 =	sor.u32 s5, s1;
	[tilespmem:s21+$0xA8B0] =	vst v0  }
0xcd: {  	s15 =	sshll.u32 s31, $0x2;
	s5 =	sshll.u32 s30, $0x2;
	s1 =	sshra.s32 s1, $0x2;
	[tilespmem:s21+$0xA930] =	vst v1  }
0xce: {  	s23 =	sshll.u32 s14, $0x2;
	s21 =	sand.u32 $0x7F, s14;
	[tilespmem:s12+$0xA980] =	vst v5;
	s1 =	sadd.s32 s12, s1  }
0xcf: {  	s4 =	sand.u32 $0xFFFFFE00, s4;
	s25 =	sand.u32 $0x7F, s16;
	v0 =	vld [tilespmem:s1+$0x980];
	s1 =	sadd.s32 $0x20, s22  }
0xd0: {  	s28 =	sshll.u32 s16, $0x2;
	s0 =	sand.u32 $0x7F, s1;
	s1 =	sshll.u32 s1, $0x2  }
0xd1: {  	s24 =	sand.u32 $0x7F, s17;
	s1 =	sand.u32 $0xFFFFFE00, s1;
	s0 =	sshll.u32 s0, $0x2  }
0xd2: {  	s26 =	sshll.u32 s17, $0x2;
	s7 =	sand.u32 $0xFFFFFE00, s7;
	s0 =	sor.u32 s0, s1  }
0xd3: {  	s13 =	sshll.u32 s13, $0x2;
	s1 =	sshll.u32 s6, $0x2;
	s0 =	sshra.s32 s0, $0x2  }
0xd4: {  	s3 =	sor.u32 s3, s4;
	s5 =	sand.u32 $0xFFFFFE00, s5;
	[tilespmem:s12+$0xA990] =	vst v0;
	s0 =	sadd.s32 s12, s0  }
0xd5: {  	s6 =	sshll.u32 s10, $0x2;
	s10 =	sand.u32 $0xFFFFFE00, s15;
	v0 =	vld [tilespmem:s0+$0x980];
	s0 =	sadd.s32 $0x30, s22  }
0xd6: {  	s3 =	sshra.s32 s3, $0x2;
	s15 =	sand.u32 $0x7F, s0;
	s0 =	sshll.u32 s0, $0x2  }
0xd7: {  	s22 =	sand.u32 $0xFFFFFE00, s23;
	s0 =	sand.u32 $0xFFFFFE00, s0;
	s15 =	sshll.u32 s15, $0x2  }
0xd8: {  	s21 =	sshll.u32 s21, $0x2;
	s23 =	sand.u32 $0xFFFFFE00, s28;
	s0 =	sor.u32 s15, s0  }
0xd9: {  	s15 =	sshll.u32 s25, $0x2;
	s25 =	sand.u32 $0xFFFFFE00, s26;
	s0 =	sshra.s32 s0, $0x2  }
0xda: {  	s1 =	sor.u32 s1, s7;
	s7 =	sshll.u32 s24, $0x2;
	[tilespmem:s12+$0xA9A0] =	vst v0;
	s0 =	sadd.s32 s12, s0  }
0xdb: {  	s3 =	sadd.s32 s12, s3;
	s4 =	sor.u32 s6, s5;
	s5 =	sor.u32 s13, s10;
	v0 =	vld [tilespmem:s0+$0x980]  }
0xdc: {  	s6 =	sor.u32 s15, s23;
	s7 =	sor.u32 s7, s25;
	s0 =	sor.u32 s21, s22  }
0xdd: {  	s10 =	sadd.s32 $0x10, s31;
	s1 =	sshra.s32 s1, $0x2;
	s4 =	sshra.s32 s4, $0x2  }
0xde: {  	s5 =	sshra.s32 s5, $0x2;
	s6 =	sshra.s32 s6, $0x2;
	s0 =	sshra.s32 s0, $0x2  }
0xdf: {  	s13 =	sadd.s32 $0x10, s16;
	s1 =	sadd.s32 s12, s1;
	s7 =	sshra.s32 s7, $0x2  }
0xe0: {  	s0 =	sadd.s32 s12, s0;
	v1 =	vld [tilespmem:s1+$0x600];
	s1 =	sadd.s32 s12, s4;
	s4 =	sadd.s32 s12, s5;
	[tilespmem:s12+$0xA9B0] =	vst v0  }
0xe1: {  	s5 =	sadd.s32 $0x10, s18;
	v0 =	vld [tilespmem:s3+$0x680];
	s3 =	sadd.s32 s12, s6;
	s6 =	sadd.s32 s12, s7  }
0xe2: {  	s15 =	sadd.s32 $0x10, s17;
	s7 =	sadd.s32 $0x10, s29;
	v2 =	vld [tilespmem:s1+$0x700];
	s1 =	sadd.s32 $0x10, s30  }
0xe3: {  	s24 =	sand.u32 $0x7F, s15;
	s15 =	sshll.u32 s15, $0x2;
	v3 =	vld [tilespmem:s4+$0x780];
	s4 =	sadd.s32 $0x10, s14  }
0xe4: {  	s21 =	sand.u32 $0x7F, s5;
	s5 =	sshll.u32 s5, $0x2;
	s22 =	sand.u32 $0x7F, s7;
	v4 =	vld [tilespmem:s0+$0x800]  }
0xe5: {  	s0 =	sshll.u32 s7, $0x2;
	s7 =	sand.u32 $0x7F, s1;
	s1 =	sshll.u32 s1, $0x2;
	[tilespmem:s12+$0xA600] =	vst v1;
	v1 =	vld [tilespmem:s3+$0x880]  }
0xe6: {  	s23 =	sand.u32 $0x7F, s4;
	s3 =	sand.u32 $0x7F, s10;
	s10 =	sshll.u32 s10, $0x2;
	[tilespmem:s12+$0xA680] =	vst v0;
	v0 =	vld [tilespmem:s6+$0x900]  }
0xe7: {  	s4 =	sshll.u32 s4, $0x2;
	s6 =	sand.u32 $0x7F, s13;
	s13 =	sshll.u32 s13, $0x2;
	[tilespmem:s12+$0xA700] =	vst v2  }
0xe8: {  	s15 =	sand.u32 $0xFFFFFE00, s15;
	s5 =	sand.u32 $0xFFFFFE00, s5;
	[tilespmem:s12+$0xA780] =	vst v3  }
0xe9: {  	s21 =	sshll.u32 s21, $0x2;
	s22 =	sshll.u32 s22, $0x2;
	s0 =	sand.u32 $0xFFFFFE00, s0;
	[tilespmem:s12+$0xA800] =	vst v4  }
0xea: {  	s1 =	sand.u32 $0xFFFFFE00, s1;
	s7 =	sshll.u32 s7, $0x2;
	s10 =	sand.u32 $0xFFFFFE00, s10;
	[tilespmem:s12+$0xA880] =	vst v1  }
0xeb: {  	s4 =	sand.u32 $0xFFFFFE00, s4;
	s23 =	sshll.u32 s23, $0x2;
	s3 =	sshll.u32 s3, $0x2;
	[tilespmem:s12+$0xA900] =	vst v0  }
0xec: {  	s5 =	sor.u32 s21, s5;
	s13 =	sand.u32 $0xFFFFFE00, s13;
	s6 =	sshll.u32 s6, $0x2  }
0xed: {  	s21 =	sshll.u32 s24, $0x2;
	s5 =	sshra.s32 s5, $0x2;
	s0 =	sor.u32 s22, s0  }
0xee: {  	s1 =	sor.u32 s7, s1;
	s4 =	sor.u32 s23, s4;
	s3 =	sor.u32 s3, s10  }
0xef: {  	s5 =	sadd.s32 s12, s5;
	s7 =	sor.u32 s21, s15;
	s6 =	sor.u32 s6, s13  }
0xf0: {  	s0 =	sshra.s32 s0, $0x2;
	s1 =	sshra.s32 s1, $0x2;
	s3 =	sshra.s32 s3, $0x2  }
0xf1: {  	s4 =	sshra.s32 s4, $0x2;
	s7 =	sshra.s32 s7, $0x2;
	s6 =	sshra.s32 s6, $0x2  }
0xf2: {  	s21 =	sadd.s32 $0x20, s17;
	s0 =	sadd.s32 s12, s0;
	s1 =	sadd.s32 s12, s1  }
0xf3: {  	s4 =	sadd.s32 s12, s4;
	s3 =	sadd.s32 s12, s3;
	v0 =	vld [tilespmem:s5+$0x600];
	s5 =	sadd.s32 s12, s6  }
0xf4: {  	s7 =	sadd.s32 s12, s7;
	s6 =	sadd.s32 $0x20, s18;
	v1 =	vld [tilespmem:s0+$0x680];
	s0 =	sadd.s32 $0x20, s29  }
0xf5: {  	s10 =	sadd.s32 $0x20, s31;
	s13 =	sadd.s32 $0x20, s14;
	v2 =	vld [tilespmem:s1+$0x700];
	s1 =	sadd.s32 $0x20, s30  }
0xf6: {  	s24 =	sand.u32 $0x7F, s21;
	s15 =	sand.u32 $0x7F, s6;
	v3 =	vld [tilespmem:s3+$0x780];
	s3 =	sadd.s32 $0x20, s16  }
0xf7: {  	s6 =	sshll.u32 s6, $0x2;
	s22 =	sand.u32 $0x7F, s0;
	s0 =	sshll.u32 s0, $0x2;
	v4 =	vld [tilespmem:s4+$0x800]  }
0xf8: {  	s23 =	sand.u32 $0x7F, s10;
	s4 =	sand.u32 $0x7F, s1;
	s1 =	sshll.u32 s1, $0x2;
	[tilespmem:s12+$0xA610] =	vst v0;
	v0 =	vld [tilespmem:s5+$0x880]  }
0xf9: {  	s5 =	sshll.u32 s10, $0x2;
	s10 =	sand.u32 $0x7F, s13;
	s13 =	sshll.u32 s13, $0x2;
	[tilespmem:s12+$0xA690] =	vst v1;
	v1 =	vld [tilespmem:s7+$0x900]  }
0xfa: {  	s21 =	sshll.u32 s21, $0x2;
	s7 =	sand.u32 $0x7F, s3;
	s3 =	sshll.u32 s3, $0x2;
	[tilespmem:s12+$0xA710] =	vst v2  }
0xfb: {  	s21 =	sand.u32 $0xFFFFFE00, s21;
	s6 =	sand.u32 $0xFFFFFE00, s6;
	s15 =	sshll.u32 s15, $0x2;
	[tilespmem:s12+$0xA790] =	vst v3  }
0xfc: {  	s0 =	sand.u32 $0xFFFFFE00, s0;
	s22 =	sshll.u32 s22, $0x2;
	s1 =	sand.u32 $0xFFFFFE00, s1;
	[tilespmem:s12+$0xA810] =	vst v4  }
0xfd: {  	s23 =	sshll.u32 s23, $0x2;
	s4 =	sshll.u32 s4, $0x2;
	s5 =	sand.u32 $0xFFFFFE00, s5;
	[tilespmem:s12+$0xA890] =	vst v0  }
0xfe: {  	s13 =	sand.u32 $0xFFFFFE00, s13;
	s10 =	sshll.u32 s10, $0x2;
	s3 =	sand.u32 $0xFFFFFE00, s3;
	[tilespmem:s12+$0xA910] =	vst v1  }
0xff: {  	s24 =	sshll.u32 s24, $0x2;
	s6 =	sor.u32 s15, s6;
	s7 =	sshll.u32 s7, $0x2  }
0x100: {  	s0 =	sor.u32 s22, s0;
	s1 =	sor.u32 s4, s1;
	s4 =	sor.u32 s23, s5  }
.Ltmp0:
0x101: {  	s5 =	sor.u32 s10, s13;
	s3 =	sor.u32 s7, s3;
	(pc) =	sbr.rel @p2 .LBB2_3-.Ltmp0, $4  }
0x102: {  	s6 =	sshra.s32 s6, $0x2;
	s0 =	sshra.s32 s0, $0x2;
	s7 =	sor.u32 s24, s21  }
0x103: {  	s10 =	sshra.s32 s1, $0x2;
	s21 =	sshra.s32 s4, $0x2;
	s25 =	sshra.s32 s5, $0x2  }
0x104: {  	s4 =	sadd.s32 s12, s6;
	s28 =	sshra.s32 s3, $0x2;
	s1 =	sshra.s32 s7, $0x2  }
0x105: {  	s20 =	sadd.s32 $0x8, s20;
	s23 =	sadd.s32 s12, s0;
	s22 =	sadd.s32 s12, s10;
	v0 =	vld [tilespmem:s4+$0x600]  }
0x106: {  	s0 =	sadd.s32 s12, s21;
	s3 =	sadd.s32 s12, s25;
	s4 =	sadd.s32 s12, s28  }
0x107: {  	s1 =	sadd.s32 s12, s1;
	s5 =	sadd.s32 $0x30, s18;
	s6 =	sadd.s32 $0x30, s29  }
0x108: {  	s7 =	sadd.s32 $0x30, s30;
	s10 =	sadd.s32 $0x30, s31;
	s11 =	sadd.s32 $0x30, s14  }
0x109: {  	s13 =	sadd.s32 $0x30, s16;
	s15 =	sadd.s32 $0x30, s17;
	s21 =	sand.u32 $0x7F, s5  }
0x10a: {  	s5 =	sshll.u32 s5, $0x2;
	s24 =	sand.u32 $0x7F, s6;
	s6 =	sshll.u32 s6, $0x2  }
0x10b: {  	s25 =	sand.u32 $0x7F, s7;
	s7 =	sshll.u32 s7, $0x2;
	s26 =	sand.u32 $0x7F, s10  }
0x10c: {  	s10 =	sshll.u32 s10, $0x2;
	s19 =	sand.u32 $0x7F, s11;
	s11 =	sshll.u32 s11, $0x2  }
0x10d: {  	s20 =	sand.u32 $0x7F, s13;
	s13 =	sshll.u32 s13, $0x2;
	s28 =	sand.u32 $0x7F, s15  }
0x10e: {  	s15 =	sshll.u32 s15, $0x2;
	s5 =	sand.u32 $0xFFFFFE00, s5;
	s14 =	sshll.u32 s21, $0x2  }
0x10f: {  	v1 =	vld [tilespmem:s23+$0x680];
	s6 =	sand.u32 $0xFFFFFE00, s6;
	s16 =	sshll.u32 s24, $0x2;
	s7 =	sand.u32 $0xFFFFFE00, s7  }
0x110: {  	v2 =	vld [tilespmem:s22+$0x700];
	s17 =	sshll.u32 s25, $0x2;
	s10 =	sand.u32 $0xFFFFFE00, s10;
	s18 =	sshll.u32 s26, $0x2  }
0x111: {  	v3 =	vld [tilespmem:s0+$0x780];
	s29 =	sand.u32 $0xFFFFFE00, s11;
	s30 =	sshll.u32 s19, $0x2;
	s13 =	sand.u32 $0xFFFFFE00, s13  }
0x112: {  	v4 =	vld [tilespmem:s3+$0x800];
	s19 =	sshll.u32 s20, $0x2;
	s20 =	sand.u32 $0xFFFFFE00, s15;
	s5 =	sor.u32 s14, s5  }
0x113: {  	v55 =	vld [tilespmem:s4+$0x880];
	s21 =	sshll.u32 s28, $0x2;
	s6 =	sor.u32 s16, s6;
	[tilespmem:s12+$0xA620] =	vst v0;
	s5 =	sshra.s32 s5, $0x2  }
0x114: {  	v56 =	vld [tilespmem:s1+$0x900];
	s22 =	sor.u32 s17, s7;
	s6 =	sshra.s32 s6, $0x2;
	[tilespmem:s12+$0xA6A0] =	vst v1;
	s5 =	sadd.s32 s12, s5  }
0x115: {  	s23 =	sor.u32 s18, s10;
	s1 =	sshra.s32 s22, $0x2;
	[tilespmem:s12+$0xA720] =	vst v2;
	s6 =	sadd.s32 s12, s6;
	v57 =	vld [tilespmem:s5+$0x600]  }
0x116: {  	s0 =	sor.u32 s30, s29;
	s24 =	sshra.s32 s23, $0x2;
	s1 =	sadd.s32 s12, s1;
	[tilespmem:s12+$0xA7A0] =	vst v3;
	v58 =	vld [tilespmem:s6+$0x680]  }
0x117: {  	s3 =	sor.u32 s19, s13;
	s0 =	sshra.s32 s0, $0x2;
	[tilespmem:s12+$0xA820] =	vst v4;
	s5 =	sadd.s32 s12, s24;
	v59 =	vld [tilespmem:s1+$0x700]  }
0x118: {  	s25 =	sor.u32 s21, s20;
	s3 =	sshra.s32 s3, $0x2;
	s0 =	sadd.s32 s12, s0;
	[tilespmem:s12+$0xA8A0] =	vst v55;
	v60 =	vld [tilespmem:s5+$0x780]  }
0x119: {  	s3 =	sadd.s32 s12, s3;
	[tilespmem:s12+$0xA920] =	vst v56;
	s1 =	sshra.s32 s25, $0x2;
	v61 =	vld [tilespmem:s0+$0x800]  }
0x11a: {  	s26 =	sadd.s32 s12, s1;
	v62 =	vld [tilespmem:s3+$0x880];
	[tilespmem:s12+$0xA630] =	vst v57  }
0x11b: {  	v63 =	vld [tilespmem:s26+$0x900];
	[tilespmem:s12+$0xA6B0] =	vst v58  }
0x11c: {  	[tilespmem:s12+$0xA730] =	vst v59  }
0x11d: {  	[tilespmem:s12+$0xA7B0] =	vst v60  }
0x11e: {  	[tilespmem:s12+$0xA830] =	vst v61  }
.Ltmp1:
0x11f: {  	[tilespmem:s12+$0xA8B0] =	vst v62;
	(pc) =	sbr.rel @p1 .LBB2_6-.Ltmp1, $4  }
0x120: {  	[tilespmem:s12+$0xA930] =	vst v63  }
0x121: {  	s28 =	sshll.u32 s9, $0x4;
	s29 =	rddreg [dreg:$0x5]  }
0x122: {  	s31 =	simm.s32 $0x0;
	s30 =	simm.s32 $0xA600;
	s0 =	sadd.s32 s29, s28  }
0x123: {  	[hbm4b:s0+s31] =	stream.linear.scatter [tilespmem:s30], [sflag:$0x4], $0x5000, $0x38;
	[tilespmem:$0x14600] =	vst v63  }
0x124: {  	s1 =	simm.s32 $0x1  }
0x125: {  	_ =	swait.ge [sflag:s1], $0xA0  }
0x126: {  	s0 =	rddreg [dreg:$0xa];
	[sflag:s1] =	ssyncset.done $0x0  }
0x127: {  	s0 =	sadd.s32 s8, s0;
	[sflag:s1] =	ssyncadd.s32 $0xFFFFFF60  }
0x128: {  	s0 =	sshrl.u32 s0, $0x3;
	s1 =	rddreg [dreg:$0x0]  }
0x129: {  	s25 =	simm.s32 $0x100;
	s0 =	sadd.s32 s1, s0  }
0x12a: {  	[tilespmem:s25], [sflag:$0x1] =	stream.linear.gather [hbm4b:s0+s31], $0xA0, $0x38;
	[tilespmem:$0x14600] =	vst v63  }
0x12b: {  	v0 =	vld [tilespmem:$0x0]  }
0x12c: {  	v1 =	vld [tilespmem:$0x10]  }
0x12d: {  	v2 =	vld [tilespmem:$0x20]  }
0x12e: {  	v37 =	vld [tilespmem:$0x30]  }
0x12f: {  	v40 =	vld [tilespmem:$0x40]  }
0x130: {  	v43 =	vld [tilespmem:$0x50];
	v3 =	vshrl.u32 v0, $0x1  }
0x131: {  	v46 =	vld [tilespmem:$0x60];
	v38 =	vshrl.u32 v1, $0x1;
	[tilespmem:$0x200] =	vst v3  }
0x132: {  	v49 =	vld [tilespmem:$0x70];
	v41 =	vshrl.u32 v2, $0x1;
	[tilespmem:$0x210] =	vst v38  }
0x133: {  	v52 =	vld [tilespmem:$0x80];
	v44 =	vshrl.u32 v37, $0x1;
	[tilespmem:$0x220] =	vst v41  }
0x134: {  	v55 =	vld [tilespmem:$0x90];
	v47 =	vshrl.u32 v40, $0x1;
	[tilespmem:$0x230] =	vst v44  }
0x135: {  	v50 =	vshrl.u32 v43, $0x1;
	[tilespmem:$0x240] =	vst v47  }
0x136: {  	v53 =	vshrl.u32 v46, $0x1;
	[tilespmem:$0x250] =	vst v50  }
0x137: {  	v56 =	vshrl.u32 v49, $0x1;
	[tilespmem:$0x260] =	vst v53  }
0x138: {  	v58 =	vshrl.u32 v52, $0x1;
	[tilespmem:$0x270] =	vst v56  }
0x139: {  	v0 =	vshll.u32 v0, $0x6;
	v61 =	vshrl.u32 v55, $0x1;
	[tilespmem:$0x280] =	vst v58  }
0x13a: {  	v1 =	vshll.u32 v1, $0x6;
	v0 =	vand.u32 $0x40, v0;
	[tilespmem:$0x290] =	vst v61  }
0x13b: {  	v2 =	vshll.u32 v2, $0x6;
	v39 =	vand.u32 $0x40, v1;
	[tilespmem:$0x400] =	vst v0  }
0x13c: {  	v59 =	vshll.u32 v52, $0x6;
	v42 =	vand.u32 $0x40, v2;
	[tilespmem:$0x410] =	vst v39  }
0x13d: {  	v62 =	vshll.u32 v55, $0x6;
	v60 =	vand.u32 $0x40, v59;
	[tilespmem:$0x420] =	vst v42  }
0x13e: {  	v3 =	vshll.u32 v37, $0x6;
	v63 =	vand.u32 $0x40, v62;
	[tilespmem:$0x480] =	vst v60  }
0x13f: {  	v1 =	vshll.u32 v40, $0x6;
	v45 =	vand.u32 $0x40, v3;
	[tilespmem:$0x490] =	vst v63  }
0x140: {  	v2 =	vshll.u32 v43, $0x6;
	v48 =	vand.u32 $0x40, v1;
	[tilespmem:$0x430] =	vst v45  }
0x141: {  	v51 =	vand.u32 $0x40, v2;
	v3 =	vshll.u32 v46, $0x6;
	[tilespmem:$0x440] =	vst v48  }
0x142: {  	v1 =	vshll.u32 v49, $0x6;
	[tilespmem:$0x450] =	vst v51;
	v54 =	vand.u32 $0x40, v3  }
0x143: {  	s28 =	simm.s32 $0x50;
	v57 =	vand.u32 $0x40, v1;
	[tilespmem:$0x460] =	vst v54  }
0x144: {  	s3 =	simm.s32 $0x200;
	s4 =	simm.s32 $0x600;
	s26 =	rddreg [dreg:$0x1];
	[tilespmem:$0x470] =	vst v57  }
0x145: {  	[tilespmem:s4], [sflag:$0x2] =	stream.indirect.gather [hbm4b:s26+s28], $0x80, s3, s28, $0xb8;
	[tilespmem:$0x14600] =	vst v63  }
0x146: {  	s29 =	simm.s32 $0x250;
	s30 =	simm.s32 $0x2E00  }
0x147: {  	[tilespmem:s30], [sflag:$0x2] =	stream.indirect.gather [hbm4b:s26+s28], $0x80, s29, s28, $0xb8;
	[tilespmem:$0x14600] =	vst v63  }
.LBB2_6:
0x148: {  	s0 =	simm.s32 $0x3  }
0x149: {  	_ =	swait.ge [sflag:s0], $0x2800  }
0x14a: {  	[sflag:s0] =	ssyncset.done $0x0  }
0x14b: {  	[sflag:s0] =	ssyncadd.s32 $0xFFFFD800  }
0x14c: {  	_ =	swait.ge [sflag:s0], $0x2800  }
0x14d: {  	[sflag:s0] =	ssyncset.done $0x0  }
0x14e: {  	[sflag:s0] =	ssyncadd.s32 $0xFFFFD800;
	s0 =	simm.s32 @!p0 $0x5  }
0x14f: {  	_ =	swait.ge @!p0 [sflag:s0], $0x5000  }
0x150: {  	[sflag:s0] =	ssyncset.done @!p0 $0x0  }
0x151: {  	s25 =	simm.s32 $0x504;
	[sflag:s0] =	ssyncadd.s32 @!p0 $0xFFFFB000  }
0x152: {  	v0 =	vld [tilespmem:s25+$0x3]  }
0x153: {  	v1 =	vld [tilespmem:s25+$0xFFFFFFFD];
	_ =	sdelay $0x1  }
0x154: {  	v2 =	vld [tilespmem:s25+$0xFFFFFFFE];
	_ =	sdelay $0x1  }
0x155: {  	v3 =	vld [tilespmem:s25+$0xFFFFFFFF];
	(v2sf) =	vpush v0, $0x0  }
0x156: {  	(v2sf) =	vpush v1, $0x0;
	_ =	sdelay $0x1  }
0x157: {  	v4 =	vld [tilespmem:s25+$0x0];
	(v2sf) =	vpush v2, $0x0;
	_ =	sdelay $0x1  }
0x158: {  	v5 =	vld [tilespmem:s25+$0x1];
	(v2sf) =	vpush v3, $0x0;
	_ =	sdelay $0x2  }
0x159: {  	v0 =	vld [tilespmem:s25+$0x2];
	(v2sf) =	vpush v4, $0x0;
	_ =	sdelay $0x1  }
0x15a: {  	(v2sf) =	vpush v5, $0x0  }
0x15b: {  	v1 =	vld [tilespmem:s25+$0xFFFFFFFC];
	_ =	sdelay $0x1  }
0x15c: {  	(v2sf) =	vpush v0, $0x0;
	_ =	sdelay $0x1  }
0x15d: {  	s8 =	simm.s32 $0x0;
	s26 =	spop (v2sf)  }
0x15e: {  	(v2sf) =	vpush v1, $0x0;
	s9 =	spop (v2sf);
	s1 =	sand.u32 $0x7F, s26;
	s3 =	sshll.u32 s26, $0x2  }
0x15f: {  	s25 =	sadd.s32 $0x10, s26;
	s20 =	sadd.s32 $0x20, s26;
	s0 =	sadd.s32 $0x30, s26  }
0x160: {  	s12 =	spop (v2sf);
	s3 =	sand.u32 $0xFFFFFE00, s3;
	s1 =	sshll.u32 s1, $0x2  }
0x161: {  	s4 =	sshll.u32 s9, $0x2;
	s5 =	sshll.u32 s25, $0x2;
	s21 =	sshll.u32 s20, $0x2  }
0x162: {  	s20 =	sand.u32 $0x7F, s20;
	s29 =	spop (v2sf);
	s1 =	sor.u32 s1, s3  }
0x163: {  	s3 =	sand.u32 $0x7F, s9;
	s5 =	sand.u32 $0xFFFFFE00, s5;
	s10 =	sand.u32 $0x7F, s12  }
0x164: {  	s21 =	sand.u32 $0xFFFFFE00, s21;
	s20 =	sshll.u32 s20, $0x2;
	s4 =	sand.u32 $0xFFFFFE00, s4  }
0x165: {  	s14 =	spop (v2sf);
	s1 =	sshra.s32 s1, $0x2;
	s13 =	sand.u32 $0x7F, s29  }
0x166: {  	s15 =	sshll.u32 s29, $0x2;
	s20 =	sor.u32 s20, s21;
	s3 =	sshll.u32 s3, $0x2  }
0x167: {  	s10 =	sshll.u32 s10, $0x2;
	s16 =	spop (v2sf);
	s19 =	sadd.s32 $0x0, s1  }
0x168: {  	s1 =	sand.u32 $0x7F, s25;
	s22 =	sand.u32 $0x7F, s14;
	s25 =	sand.u32 $0x7F, s0  }
0x169: {  	s0 =	sshll.u32 s0, $0x2;
	s15 =	sand.u32 $0xFFFFFE00, s15;
	s13 =	sshll.u32 s13, $0x2  }
0x16a: {  	s3 =	sor.u32 s3, s4;
	s20 =	sshra.s32 s20, $0x2;
	s17 =	spop (v2sf)  }
0x16b: {  	s1 =	sshll.u32 s1, $0x2;
	s23 =	sand.u32 $0x7F, s16;
	s24 =	sshll.u32 s16, $0x2  }
0x16c: {  	s0 =	sand.u32 $0xFFFFFE00, s0;
	s26 =	sshll.u32 s25, $0x2;
	s22 =	sshll.u32 s22, $0x2  }
0x16d: {  	s20 =	sadd.s32 $0x0, s20;
	s3 =	sshra.s32 s3, $0x2;
	s18 =	spop (v2sf)  }
0x16e: {  	s1 =	sor.u32 s1, s5;
	s5 =	sshll.u32 s12, $0x2;
	s25 =	sand.u32 $0x7F, s17  }
0x16f: {  	s21 =	sor.u32 s26, s0;
	s26 =	sshll.u32 s17, $0x2;
	s24 =	sand.u32 $0xFFFFFE00, s24  }
0x170: {  	s23 =	sshll.u32 s23, $0x2;
	s3 =	sadd.s32 $0x0, s3;
	s6 =	sand.u32 $0x7F, s18  }
0x171: {  	s7 =	sshll.u32 s18, $0x2;
	s1 =	sshra.s32 s1, $0x2;
	s5 =	sand.u32 $0xFFFFFE00, s5  }
0x172: {  	s0 =	sand.u32 $0xFFFFFE00, s26;
	s26 =	sshll.u32 s25, $0x2;
	s21 =	sshra.s32 s21, $0x2  }
0x173: {  	s11 =	sadd.s32 $0x0, s1;
	s1 =	sshll.u32 s14, $0x2;
	s7 =	sand.u32 $0xFFFFFE00, s7  }
0x174: {  	s6 =	sshll.u32 s6, $0x2;
	s4 =	sor.u32 s10, s5;
	s5 =	sor.u32 s13, s15  }
0x175: {  	s10 =	sor.u32 s23, s24;
	s0 =	sor.u32 s26, s0;
	s24 =	sadd.s32 $0x10, s18  }
0x176: {  	s13 =	sadd.s32 $0x10, s9;
	s15 =	sadd.s32 $0x10, s12;
	s21 =	sadd.s32 $0x0, s21  }
0x177: {  	s1 =	sand.u32 $0xFFFFFE00, s1;
	s6 =	sor.u32 s6, s7;
	s25 =	sand.u32 $0x7F, s24  }
0x178: {  	s7 =	sshll.u32 s24, $0x2;
	s24 =	sadd.s32 $0x10, s14;
	s26 =	sand.u32 $0x7F, s13  }
0x179: {  	s13 =	sshll.u32 s13, $0x2;
	s4 =	sshra.s32 s4, $0x2;
	s5 =	sshra.s32 s5, $0x2  }
0x17a: {  	s10 =	sshra.s32 s10, $0x2;
	s0 =	sshra.s32 s0, $0x2;
	s1 =	sor.u32 s22, s1  }
0x17b: {  	s22 =	sadd.s32 $0x10, s29;
	s7 =	sand.u32 $0xFFFFFE00, s7;
	s23 =	sshll.u32 s25, $0x2  }
0x17c: {  	s13 =	sand.u32 $0xFFFFFE00, s13;
	s25 =	sshll.u32 s26, $0x2;
	s6 =	sshra.s32 s6, $0x2  }
0x17d: {  	v0 =	vld [tilespmem:s19+$0x5980];
	s4 =	sadd.s32 $0x0, s4;
	s5 =	sadd.s32 $0x0, s5;
	s10 =	sadd.s32 $0x0, s10  }
0x17e: {  	s0 =	sadd.s32 $0x0, s0;
	s7 =	sor.u32 s23, s7;
	s23 =	sand.u32 $0x7F, s15  }
0x17f: {  	s15 =	sshll.u32 s15, $0x2;
	s13 =	sor.u32 s25, s13;
	s26 =	sand.u32 $0x7F, s22  }
0x180: {  	s22 =	sshll.u32 s22, $0x2;
	s25 =	sand.u32 $0x7F, s24;
	s24 =	sshll.u32 s24, $0x2  }
0x181: {  	s1 =	sshra.s32 s1, $0x2;
	s6 =	sadd.s32 $0x0, s6;
	v3 =	vld [tilespmem:s4+$0x5700];
	s4 =	sadd.s32 $0x20, s12  }
0x182: {  	[tilespmem:s8+$0xF980] =	vst v0;
	s15 =	sand.u32 $0xFFFFFE00, s15;
	s23 =	sshll.u32 s23, $0x2;
	s22 =	sand.u32 $0xFFFFFE00, s22  }
0x183: {  	v0 =	vld [tilespmem:s11+$0x5980];
	s19 =	sshll.u32 s26, $0x2;
	s26 =	sadd.s32 $0x10, s16;
	s24 =	sand.u32 $0xFFFFFE00, s24  }
0x184: {  	s1 =	sadd.s32 $0x0, s1;
	s7 =	sshra.s32 s7, $0x2;
	s13 =	sshra.s32 s13, $0x2  }
0x185: {  	s15 =	sor.u32 s23, s15;
	s19 =	sor.u32 s19, s22;
	s23 =	sshll.u32 s25, $0x2  }
0x186: {  	s25 =	sand.u32 $0x7F, s26;
	s22 =	sshll.u32 s26, $0x2;
	s26 =	sadd.s32 $0x10, s17  }
0x187: {  	v2 =	vld [tilespmem:s3+$0x5680];
	s7 =	sadd.s32 $0x0, s7;
	s13 =	sadd.s32 $0x0, s13;
	s23 =	sor.u32 s23, s24  }
0x188: {  	s22 =	sand.u32 $0xFFFFFE00, s22;
	s24 =	sshll.u32 s25, $0x2;
	s25 =	sand.u32 $0x7F, s26;
	[tilespmem:s8+$0xF990] =	vst v0  }
0x189: {  	s11 =	sshll.u32 s26, $0x2;
	s15 =	sshra.s32 s15, $0x2;
	s19 =	sshra.s32 s19, $0x2;
	v0 =	vld [tilespmem:s20+$0x5980]  }
0x18a: {  	s22 =	sor.u32 s24, s22;
	s11 =	sand.u32 $0xFFFFFE00, s11;
	s24 =	sshll.u32 s25, $0x2  }
0x18b: {  	s26 =	sshra.s32 s23, $0x2;
	s15 =	sadd.s32 $0x0, s15;
	s19 =	sadd.s32 $0x0, s19  }
0x18c: {  	v1 =	vld [tilespmem:s6+$0x5600];
	[tilespmem:s8+$0xF680] =	vst v2;
	s23 =	sadd.s32 $0x20, s18;
	s11 =	sor.u32 s24, s11;
	s22 =	sshra.s32 s22, $0x2  }
0x18d: {  	s24 =	sadd.s32 $0x20, s9;
	s25 =	sand.u32 $0x7F, s23;
	[tilespmem:s8+$0xF700] =	vst v3;
	v3 =	vld [tilespmem:s13+$0x5680];
	s13 =	sadd.s32 $0x20, s16  }
0x18e: {  	v60 =	vld [tilespmem:s5+$0x5780];
	s11 =	sshra.s32 s11, $0x2;
	s20 =	sadd.s32 $0x0, s26;
	s6 =	sadd.s32 $0x0, s22;
	[tilespmem:s8+$0xF9A0] =	vst v0  }
0x18f: {  	s26 =	sand.u32 $0x7F, s24;
	s3 =	sadd.s32 $0x0, s11;
	s11 =	sshll.u32 s25, $0x2;
	v0 =	vld [tilespmem:s21+$0x5980]  }
0x190: {  	v61 =	vld [tilespmem:s10+$0x5880];
	s25 =	sand.u32 $0x7F, s4;
	s4 =	sshll.u32 s4, $0x2;
	s21 =	sshll.u32 s23, $0x2  }
0x191: {  	[tilespmem:s8+$0xF600] =	vst v1;
	v1 =	vld [tilespmem:s0+$0x5900];
	s4 =	sand.u32 $0xFFFFFE00, s4;
	s23 =	sshll.u32 s24, $0x2;
	s21 =	sand.u32 $0xFFFFFE00, s21  }
0x192: {  	v62 =	vld [tilespmem:s15+$0x5700];
	s5 =	sor.u32 s11, s21;
	s21 =	sand.u32 $0xFFFFFE00, s23;
	s11 =	sshll.u32 s26, $0x2  }
0x193: {  	v2 =	vld [tilespmem:s7+$0x5600];
	s24 =	sadd.s32 $0x20, s29;
	s26 =	sadd.s32 $0x20, s14;
	s10 =	sor.u32 s11, s21  }
0x194: {  	s11 =	sshll.u32 s25, $0x2;
	s15 =	sand.u32 $0x7F, s26;
	s0 =	sshll.u32 s26, $0x2;
	[tilespmem:s8+$0xF9B0] =	vst v0;
	v0 =	vld [tilespmem:s1+$0x5800]  }
0x195: {  	[tilespmem:s8+$0xF780] =	vst v60;
	s21 =	sand.u32 $0x7F, s13;
	s5 =	sshra.s32 s5, $0x2;
	s4 =	sor.u32 s11, s4  }
0x196: {  	[tilespmem:s8+$0xF880] =	vst v61;
	s11 =	sand.u32 $0x7F, s24;
	s0 =	sand.u32 $0xFFFFFE00, s0;
	s23 =	sshll.u32 s21, $0x2  }
0x197: {  	[tilespmem:s8+$0xF900] =	vst v1;
	v1 =	vld [tilespmem:s6+$0x5880];
	s25 =	sshra.s32 s10, $0x2;
	s26 =	sadd.s32 $0x0, s5;
	s1 =	sshll.u32 s24, $0x2  }
0x198: {  	[tilespmem:s8+$0xF610] =	vst v2;
	v2 =	vld [tilespmem:s3+$0x5900];
	s7 =	sshll.u32 s11, $0x2;
	s11 =	sshll.u32 s13, $0x2;
	s1 =	sand.u32 $0xFFFFFE00, s1  }
0x199: {  	s4 =	sshra.s32 s4, $0x2;
	s11 =	sand.u32 $0xFFFFFE00, s11;
	s1 =	sor.u32 s7, s1;
	[tilespmem:s8+$0xF800] =	vst v0;
	v0 =	vld [tilespmem:s19+$0x5780]  }
0x19a: {  	[tilespmem:s8+$0xF690] =	vst v3;
	s7 =	sshll.u32 s15, $0x2;
	s3 =	sor.u32 s23, s11;
	s11 =	simm.s32 $0x0;
	v63 =	vld [tilespmem:s20+$0x5800]  }
0x19b: {  	[tilespmem:s8+$0xF710] =	vst v62;
	s23 =	sadd.s32 $0x0, s25;
	s0 =	sor.u32 s7, s0;
	s19 =	sadd.s32 $0x20, s17  }
0x19c: {  	[tilespmem:s8+$0xF890] =	vst v1;
	s1 =	sshra.s32 s1, $0x2;
	s22 =	sand.u32 $0x7F, s19;
	s13 =	sshll.u32 s19, $0x2  }
0x19d: {  	[tilespmem:s8+$0xF910] =	vst v2;
	s28 =	sshra.s32 s3, $0x2;
	s24 =	sand.u32 $0xFFFFFE00, s13;
	s6 =	sshll.u32 s22, $0x2  }
0x19e: {  	s21 =	sshra.s32 s0, $0x2;
	s19 =	simm.s32 $0x0;
	s6 =	sor.u32 s6, s24;
	[tilespmem:s8+$0xF790] =	vst v0  }
0x19f: {  	s20 =	simm.s32 $0x50C;
	s22 =	sadd.s32 $0x0, s4;
	s30 =	sshra.s32 s6, $0x2;
	v0 =	vld [tilespmem:s26+$0x5600];
	[tilespmem:s8+$0xF810] =	vst v63  }
.LBB2_7:
0x1a0: {  	s11 =	sadd.s32 $0x8, s11;
	s0 =	sadd.s32 s8, s1;
	s25 =	sadd.s32 s8, s21  }
0x1a1: {  	v1 =	vld [tilespmem:s20+$0x3];
	s21 =	smov.u32 s8;
	s1 =	sadd.s32 $0x30, s18;
	s3 =	sadd.s32 $0x30, s9  }
0x1a2: {  	v2 =	vld [tilespmem:s20+$0xFFFFFFFD];
	p0 =	slt.u32 s11, $0x98;
	s28 =	sadd.s32 s21, s28;
	s8 =	sadd.s32 s21, s30  }
0x1a3: {  	s4 =	sadd.s32 $0x30, s12;
	s5 =	sadd.s32 $0x30, s29;
	s6 =	sadd.s32 $0x30, s14;
	v3 =	vld [tilespmem:s20+$0xFFFFFFFE]  }
0x1a4: {  	s7 =	sadd.s32 $0x30, s16;
	s10 =	sadd.s32 $0x30, s17;
	s19 =	sadd.s32 $0x1000, s19;
	v4 =	vld [tilespmem:s20+$0xFFFFFFFF]  }
0x1a5: {  	s9 =	sand.u32 $0x7F, s1;
	s1 =	sshll.u32 s1, $0x2;
	s12 =	sand.u32 $0x7F, s3;
	v5 =	vld [tilespmem:s20+$0x0];
	[tilespmem:s21+$0xF620] =	vst v0  }
0x1a6: {  	s3 =	sshll.u32 s3, $0x2;
	s13 =	sand.u32 $0x7F, s4;
	s4 =	sshll.u32 s4, $0x2;
	v0 =	vld [tilespmem:s20+$0x1];
	(v2sf) =	vpush v1, $0x0  }
0x1a7: {  	s14 =	sand.u32 $0x7F, s5;
	s5 =	sshll.u32 s5, $0x2;
	s15 =	sand.u32 $0x7F, s6;
	v1 =	vld [tilespmem:s20+$0x2];
	(v2sf) =	vpush v2, $0x0  }
0x1a8: {  	s6 =	sshll.u32 s6, $0x2;
	s16 =	sand.u32 $0x7F, s7;
	s7 =	sshll.u32 s7, $0x2;
	v2 =	vld [tilespmem:s20+$0xFFFFFFFC];
	(v2sf) =	vpush v3, $0x0  }
0x1a9: {  	s17 =	sand.u32 $0x7F, s10;
	s10 =	sshll.u32 s10, $0x2;
	s1 =	sand.u32 $0xFFFFFE00, s1;
	(v2sf) =	vpush v4, $0x0;
	v3 =	vld [tilespmem:s23+$0x5680]  }
0x1aa: {  	s9 =	sshll.u32 s9, $0x2;
	s3 =	sand.u32 $0xFFFFFE00, s3;
	s12 =	sshll.u32 s12, $0x2;
	(v2sf) =	vpush v5, $0x0;
	v4 =	vld [tilespmem:s22+$0x5700]  }
0x1ab: {  	s4 =	sand.u32 $0xFFFFFE00, s4;
	s13 =	sshll.u32 s13, $0x2;
	s6 =	sand.u32 $0xFFFFFE00, s6;
	(v2sf) =	vpush v0, $0x0;
	v0 =	vld [tilespmem:s0+$0x5780]  }
0x1ac: {  	s7 =	sand.u32 $0xFFFFFE00, s7;
	s0 =	sand.u32 $0xFFFFFE00, s5;
	s5 =	sshll.u32 s14, $0x2;
	(v2sf) =	vpush v1, $0x0;
	v1 =	vld [tilespmem:s25+$0x5800]  }
0x1ad: {  	s1 =	sor.u32 s9, s1;
	s14 =	sshll.u32 s15, $0x2;
	s15 =	sshll.u32 s16, $0x2;
	(v2sf) =	vpush v2, $0x0;
	v2 =	vld [tilespmem:s28+$0x5880]  }
0x1ae: {  	s9 =	sshll.u32 s17, $0x2;
	s3 =	sor.u32 s12, s3;
	[tilespmem:s21+$0xF6A0] =	vst v3;
	v3 =	vld [tilespmem:s8+$0x5900];
	s8 =	sand.u32 $0xFFFFFE00, s10  }
0x1af: {  	s4 =	sor.u32 s13, s4;
	s1 =	sshra.s32 s1, $0x2;
	s0 =	sor.u32 s5, s0;
	[tilespmem:s21+$0xF720] =	vst v4  }
0x1b0: {  	s5 =	sor.u32 s14, s6;
	s6 =	sor.u32 s15, s7;
	s7 =	sor.u32 s9, s8;
	[tilespmem:s21+$0xF7A0] =	vst v0  }
0x1b1: {  	s3 =	sshra.s32 s3, $0x2;
	s4 =	sshra.s32 s4, $0x2;
	s1 =	sadd.s32 s21, s1;
	[tilespmem:s21+$0xF820] =	vst v1  }
0x1b2: {  	s0 =	sshra.s32 s0, $0x2;
	s5 =	sshra.s32 s5, $0x2;
	s6 =	sshra.s32 s6, $0x2;
	[tilespmem:s21+$0xF8A0] =	vst v2  }
0x1b3: {  	s3 =	sadd.s32 s21, s3;
	s0 =	sadd.s32 s21, s0;
	s7 =	sshra.s32 s7, $0x2;
	[tilespmem:s21+$0xF920] =	vst v3  }
0x1b4: {  	s8 =	sshra.s32 s19, $0x2;
	v0 =	vld [tilespmem:s1+$0x5600];
	s1 =	sadd.s32 s21, s4;
	s4 =	sadd.s32 s21, s5  }
0x1b5: {  	s5 =	sadd.s32 s21, s7;
	s22 =	spop (v2sf);
	v1 =	vld [tilespmem:s3+$0x5680];
	s3 =	sadd.s32 s21, s6  }
0x1b6: {  	s6 =	sand.u32 $0x7F, s22;
	s7 =	sshll.u32 s22, $0x2;
	s9 =	spop (v2sf);
	v2 =	vld [tilespmem:s1+$0x5700]  }
0x1b7: {  	s1 =	sand.u32 $0xFFFFFE00, s7;
	s6 =	sshll.u32 s6, $0x2;
	s12 =	spop (v2sf);
	v3 =	vld [tilespmem:s0+$0x5780]  }
0x1b8: {  	s0 =	sor.u32 s6, s1;
	s29 =	spop (v2sf);
	v4 =	vld [tilespmem:s4+$0x5800];
	s1 =	sand.u32 $0x7F, s9  }
0x1b9: {  	s7 =	sand.u32 $0x7F, s12;
	s0 =	sshra.s32 s0, $0x2;
	s14 =	spop (v2sf);
	[tilespmem:s21+$0xF630] =	vst v0;
	v0 =	vld [tilespmem:s3+$0x5880]  }
0x1ba: {  	s3 =	sshll.u32 s9, $0x2;
	s0 =	sadd.s32 s8, s0;
	s16 =	spop (v2sf);
	[tilespmem:s21+$0xF6B0] =	vst v1;
	v1 =	vld [tilespmem:s5+$0x5900]  }
0x1bb: {  	s10 =	sand.u32 $0x7F, s29;
	v5 =	vld [tilespmem:s0+$0x5980];
	s0 =	sadd.s32 $0x10, s22;
	s17 =	spop (v2sf);
	[tilespmem:s21+$0xF730] =	vst v2  }
0x1bc: {  	s4 =	sand.u32 $0x7F, s0;
	s0 =	sshll.u32 s0, $0x2;
	s18 =	spop (v2sf);
	[tilespmem:s21+$0xF7B0] =	vst v3  }
0x1bd: {  	s5 =	sand.u32 $0x7F, s18;
	s0 =	sand.u32 $0xFFFFFE00, s0;
	s4 =	sshll.u32 s4, $0x2;
	[tilespmem:s21+$0xF830] =	vst v4  }
0x1be: {  	s13 =	sshll.u32 s29, $0x2;
	s6 =	sshll.u32 s18, $0x2;
	s0 =	sor.u32 s4, s0;
	[tilespmem:s21+$0xF8B0] =	vst v0  }
0x1bf: {  	s1 =	sshll.u32 s1, $0x2;
	s4 =	sshll.u32 s12, $0x2;
	s0 =	sshra.s32 s0, $0x2;
	[tilespmem:s21+$0xF930] =	vst v1  }
0x1c0: {  	s7 =	sshll.u32 s7, $0x2;
	s15 =	sand.u32 $0x7F, s14;
	[tilespmem:s8+$0xF980] =	vst v5;
	s0 =	sadd.s32 s8, s0  }
0x1c1: {  	s23 =	sand.u32 $0x7F, s16;
	s21 =	sshll.u32 s14, $0x2;
	v0 =	vld [tilespmem:s0+$0x5980];
	s0 =	sadd.s32 $0x20, s22  }
0x1c2: {  	s24 =	sshll.u32 s16, $0x2;
	s25 =	sand.u32 $0x7F, s0;
	s0 =	sshll.u32 s0, $0x2  }
0x1c3: {  	s26 =	sand.u32 $0x7F, s17;
	s0 =	sand.u32 $0xFFFFFE00, s0;
	s25 =	sshll.u32 s25, $0x2  }
0x1c4: {  	s28 =	sshll.u32 s17, $0x2;
	s6 =	sand.u32 $0xFFFFFE00, s6;
	s0 =	sor.u32 s25, s0  }
0x1c5: {  	s3 =	sand.u32 $0xFFFFFE00, s3;
	s5 =	sshll.u32 s5, $0x2;
	s0 =	sshra.s32 s0, $0x2  }
0x1c6: {  	s13 =	sand.u32 $0xFFFFFE00, s13;
	s4 =	sand.u32 $0xFFFFFE00, s4;
	[tilespmem:s8+$0xF990] =	vst v0;
	s0 =	sadd.s32 s8, s0  }
0x1c7: {  	s10 =	sshll.u32 s10, $0x2;
	s15 =	sshll.u32 s15, $0x2;
	v0 =	vld [tilespmem:s0+$0x5980];
	s0 =	sadd.s32 $0x30, s22  }
0x1c8: {  	s1 =	sor.u32 s1, s3;
	s22 =	sand.u32 $0x7F, s0;
	s0 =	sshll.u32 s0, $0x2  }
0x1c9: {  	s21 =	sand.u32 $0xFFFFFE00, s21;
	s0 =	sand.u32 $0xFFFFFE00, s0;
	s22 =	sshll.u32 s22, $0x2  }
0x1ca: {  	s24 =	sand.u32 $0xFFFFFE00, s24;
	s1 =	sshra.s32 s1, $0x2;
	s0 =	sor.u32 s22, s0  }
0x1cb: {  	s22 =	sshll.u32 s23, $0x2;
	s23 =	sand.u32 $0xFFFFFE00, s28;
	s0 =	sshra.s32 s0, $0x2  }
0x1cc: {  	s5 =	sor.u32 s5, s6;
	s6 =	sshll.u32 s26, $0x2;
	[tilespmem:s8+$0xF9A0] =	vst v0;
	s0 =	sadd.s32 s8, s0  }
0x1cd: {  	s1 =	sadd.s32 s8, s1;
	s3 =	sor.u32 s7, s4;
	s4 =	sor.u32 s10, s13;
	v0 =	vld [tilespmem:s0+$0x5980]  }
0x1ce: {  	s7 =	sor.u32 s22, s24;
	s6 =	sor.u32 s6, s23;
	s0 =	sor.u32 s15, s21  }
0x1cf: {  	s5 =	sshra.s32 s5, $0x2;
	s10 =	sadd.s32 $0x10, s29;
	s3 =	sshra.s32 s3, $0x2  }
0x1d0: {  	s4 =	sshra.s32 s4, $0x2;
	s7 =	sshra.s32 s7, $0x2;
	s0 =	sshra.s32 s0, $0x2  }
0x1d1: {  	s13 =	sadd.s32 $0x10, s16;
	s5 =	sadd.s32 s8, s5;
	s6 =	sshra.s32 s6, $0x2  }
0x1d2: {  	s3 =	sadd.s32 s8, s3;
	s4 =	sadd.s32 s8, s4;
	s0 =	sadd.s32 s8, s0;
	v1 =	vld [tilespmem:s5+$0x5600];
	[tilespmem:s8+$0xF9B0] =	vst v0  }
0x1d3: {  	s6 =	sadd.s32 s8, s6;
	s5 =	sadd.s32 $0x10, s18;
	v0 =	vld [tilespmem:s1+$0x5680];
	s1 =	sadd.s32 s8, s7  }
0x1d4: {  	s15 =	sadd.s32 $0x10, s17;
	s7 =	sadd.s32 $0x10, s9;
	v2 =	vld [tilespmem:s3+$0x5700];
	s3 =	sadd.s32 $0x10, s12  }
0x1d5: {  	s24 =	sand.u32 $0x7F, s15;
	s15 =	sshll.u32 s15, $0x2;
	v3 =	vld [tilespmem:s4+$0x5780];
	s4 =	sadd.s32 $0x10, s14  }
0x1d6: {  	s21 =	sand.u32 $0x7F, s5;
	s5 =	sshll.u32 s5, $0x2;
	s22 =	sand.u32 $0x7F, s7;
	v4 =	vld [tilespmem:s0+$0x5800]  }
0x1d7: {  	s0 =	sshll.u32 s7, $0x2;
	s7 =	sand.u32 $0x7F, s3;
	s3 =	sshll.u32 s3, $0x2;
	[tilespmem:s8+$0xF600] =	vst v1;
	v1 =	vld [tilespmem:s1+$0x5880]  }
0x1d8: {  	s23 =	sand.u32 $0x7F, s4;
	s1 =	sand.u32 $0x7F, s10;
	s10 =	sshll.u32 s10, $0x2;
	[tilespmem:s8+$0xF680] =	vst v0;
	v0 =	vld [tilespmem:s6+$0x5900]  }
0x1d9: {  	s4 =	sshll.u32 s4, $0x2;
	s6 =	sand.u32 $0x7F, s13;
	s13 =	sshll.u32 s13, $0x2;
	[tilespmem:s8+$0xF700] =	vst v2  }
0x1da: {  	s15 =	sand.u32 $0xFFFFFE00, s15;
	s5 =	sand.u32 $0xFFFFFE00, s5;
	[tilespmem:s8+$0xF780] =	vst v3  }
0x1db: {  	s21 =	sshll.u32 s21, $0x2;
	s22 =	sshll.u32 s22, $0x2;
	s0 =	sand.u32 $0xFFFFFE00, s0;
	[tilespmem:s8+$0xF800] =	vst v4  }
0x1dc: {  	s3 =	sand.u32 $0xFFFFFE00, s3;
	s7 =	sshll.u32 s7, $0x2;
	s10 =	sand.u32 $0xFFFFFE00, s10;
	[tilespmem:s8+$0xF880] =	vst v1  }
0x1dd: {  	s4 =	sand.u32 $0xFFFFFE00, s4;
	s23 =	sshll.u32 s23, $0x2;
	s1 =	sshll.u32 s1, $0x2;
	[tilespmem:s8+$0xF900] =	vst v0  }
0x1de: {  	s5 =	sor.u32 s21, s5;
	s13 =	sand.u32 $0xFFFFFE00, s13;
	s6 =	sshll.u32 s6, $0x2  }
0x1df: {  	s21 =	sshll.u32 s24, $0x2;
	s5 =	sshra.s32 s5, $0x2;
	s0 =	sor.u32 s22, s0  }
0x1e0: {  	s3 =	sor.u32 s7, s3;
	s4 =	sor.u32 s23, s4;
	s1 =	sor.u32 s1, s10  }
0x1e1: {  	s5 =	sadd.s32 s8, s5;
	s7 =	sor.u32 s21, s15;
	s6 =	sor.u32 s6, s13  }
0x1e2: {  	s0 =	sshra.s32 s0, $0x2;
	s3 =	sshra.s32 s3, $0x2;
	s1 =	sshra.s32 s1, $0x2  }
0x1e3: {  	s4 =	sshra.s32 s4, $0x2;
	s7 =	sshra.s32 s7, $0x2;
	s6 =	sshra.s32 s6, $0x2  }
0x1e4: {  	s21 =	sadd.s32 $0x20, s17;
	s0 =	sadd.s32 s8, s0;
	s3 =	sadd.s32 s8, s3  }
0x1e5: {  	s4 =	sadd.s32 s8, s4;
	s1 =	sadd.s32 s8, s1;
	v0 =	vld [tilespmem:s5+$0x5600];
	s5 =	sadd.s32 s8, s6  }
0x1e6: {  	s7 =	sadd.s32 s8, s7;
	s6 =	sadd.s32 $0x20, s18;
	v1 =	vld [tilespmem:s0+$0x5680];
	s0 =	sadd.s32 $0x20, s9  }
0x1e7: {  	s10 =	sadd.s32 $0x20, s29;
	s13 =	sadd.s32 $0x20, s14;
	v2 =	vld [tilespmem:s3+$0x5700];
	s3 =	sadd.s32 $0x20, s12  }
0x1e8: {  	s24 =	sand.u32 $0x7F, s21;
	s15 =	sand.u32 $0x7F, s6;
	v3 =	vld [tilespmem:s1+$0x5780];
	s1 =	sadd.s32 $0x20, s16  }
0x1e9: {  	s6 =	sshll.u32 s6, $0x2;
	s22 =	sand.u32 $0x7F, s0;
	s0 =	sshll.u32 s0, $0x2;
	v4 =	vld [tilespmem:s4+$0x5800]  }
0x1ea: {  	s23 =	sand.u32 $0x7F, s10;
	s4 =	sand.u32 $0x7F, s3;
	s3 =	sshll.u32 s3, $0x2;
	[tilespmem:s8+$0xF610] =	vst v0;
	v0 =	vld [tilespmem:s5+$0x5880]  }
0x1eb: {  	s5 =	sshll.u32 s10, $0x2;
	s10 =	sand.u32 $0x7F, s13;
	s13 =	sshll.u32 s13, $0x2;
	[tilespmem:s8+$0xF690] =	vst v1;
	v1 =	vld [tilespmem:s7+$0x5900]  }
0x1ec: {  	s21 =	sshll.u32 s21, $0x2;
	s7 =	sand.u32 $0x7F, s1;
	s1 =	sshll.u32 s1, $0x2;
	[tilespmem:s8+$0xF710] =	vst v2  }
0x1ed: {  	s21 =	sand.u32 $0xFFFFFE00, s21;
	s6 =	sand.u32 $0xFFFFFE00, s6;
	s15 =	sshll.u32 s15, $0x2;
	[tilespmem:s8+$0xF790] =	vst v3  }
0x1ee: {  	s0 =	sand.u32 $0xFFFFFE00, s0;
	s22 =	sshll.u32 s22, $0x2;
	s3 =	sand.u32 $0xFFFFFE00, s3;
	[tilespmem:s8+$0xF810] =	vst v4  }
0x1ef: {  	s23 =	sshll.u32 s23, $0x2;
	s4 =	sshll.u32 s4, $0x2;
	s5 =	sand.u32 $0xFFFFFE00, s5;
	[tilespmem:s8+$0xF890] =	vst v0  }
0x1f0: {  	s13 =	sand.u32 $0xFFFFFE00, s13;
	s10 =	sshll.u32 s10, $0x2;
	s1 =	sand.u32 $0xFFFFFE00, s1;
	[tilespmem:s8+$0xF910] =	vst v1  }
0x1f1: {  	s24 =	sshll.u32 s24, $0x2;
	s6 =	sor.u32 s15, s6;
	s7 =	sshll.u32 s7, $0x2  }
0x1f2: {  	s0 =	sor.u32 s22, s0;
	s3 =	sor.u32 s4, s3;
	s4 =	sor.u32 s23, s5  }
.Ltmp2:
0x1f3: {  	s5 =	sor.u32 s10, s13;
	s7 =	sor.u32 s7, s1;
	(pc) =	sbr.rel @p0 .LBB2_7-.Ltmp2, $4  }
0x1f4: {  	s6 =	sshra.s32 s6, $0x2;
	s0 =	sshra.s32 s0, $0x2;
	s10 =	sor.u32 s24, s21  }
0x1f5: {  	s3 =	sshra.s32 s3, $0x2;
	s1 =	sshra.s32 s4, $0x2;
	s21 =	sshra.s32 s5, $0x2  }
0x1f6: {  	s4 =	sadd.s32 s8, s6;
	s30 =	sshra.s32 s10, $0x2;
	s28 =	sshra.s32 s7, $0x2  }
0x1f7: {  	s20 =	sadd.s32 $0x8, s20;
	s23 =	sadd.s32 s8, s0;
	s22 =	sadd.s32 s8, s3;
	v0 =	vld [tilespmem:s4+$0x5600]  }
0x1f8: {  	s0 =	sadd.s32 s8, s1;
	s21 =	sadd.s32 s8, s21;
	s3 =	sadd.s32 s8, s28  }
0x1f9: {  	s4 =	sadd.s32 s8, s30;
	s5 =	sadd.s32 $0x30, s18;
	s6 =	sadd.s32 $0x30, s9  }
0x1fa: {  	s7 =	sadd.s32 $0x30, s12;
	s24 =	sadd.s32 $0x30, s29;
	s10 =	sadd.s32 $0x30, s14  }
0x1fb: {  	s11 =	sadd.s32 $0x30, s16;
	s13 =	sadd.s32 $0x30, s17;
	s25 =	sand.u32 $0x7F, s5  }
0x1fc: {  	s5 =	sshll.u32 s5, $0x2;
	s26 =	sand.u32 $0x7F, s6;
	s6 =	sshll.u32 s6, $0x2  }
0x1fd: {  	s15 =	sand.u32 $0x7F, s7;
	s7 =	sshll.u32 s7, $0x2;
	s28 =	sand.u32 $0x7F, s24  }
0x1fe: {  	s9 =	sshll.u32 s24, $0x2;
	s29 =	sand.u32 $0x7F, s10;
	s10 =	sshll.u32 s10, $0x2  }
0x1ff: {  	s30 =	sand.u32 $0x7F, s11;
	s11 =	sshll.u32 s11, $0x2;
	s19 =	sand.u32 $0x7F, s13  }
0x200: {  	s13 =	sshll.u32 s13, $0x2;
	s5 =	sand.u32 $0xFFFFFE00, s5;
	s12 =	sshll.u32 s25, $0x2  }
0x201: {  	v1 =	vld [tilespmem:s23+$0x5680];
	s6 =	sand.u32 $0xFFFFFE00, s6;
	s14 =	sshll.u32 s26, $0x2;
	s7 =	sand.u32 $0xFFFFFE00, s7  }
0x202: {  	v2 =	vld [tilespmem:s22+$0x5700];
	s15 =	sshll.u32 s15, $0x2;
	s9 =	sand.u32 $0xFFFFFE00, s9;
	s16 =	sshll.u32 s28, $0x2  }
0x203: {  	v3 =	vld [tilespmem:s0+$0x5780];
	s10 =	sand.u32 $0xFFFFFE00, s10;
	s17 =	sshll.u32 s29, $0x2;
	s11 =	sand.u32 $0xFFFFFE00, s11  }
0x204: {  	v4 =	vld [tilespmem:s21+$0x5800];
	s20 =	sshll.u32 s30, $0x2;
	s21 =	sand.u32 $0xFFFFFE00, s13;
	s5 =	sor.u32 s12, s5  }
0x205: {  	v55 =	vld [tilespmem:s3+$0x5880];
	s22 =	sshll.u32 s19, $0x2;
	s6 =	sor.u32 s14, s6;
	[tilespmem:s8+$0xF620] =	vst v0;
	s5 =	sshra.s32 s5, $0x2  }
0x206: {  	v56 =	vld [tilespmem:s4+$0x5900];
	s23 =	sor.u32 s15, s7;
	s6 =	sshra.s32 s6, $0x2;
	[tilespmem:s8+$0xF6A0] =	vst v1;
	s5 =	sadd.s32 s8, s5  }
0x207: {  	s24 =	sor.u32 s16, s9;
	s4 =	sshra.s32 s23, $0x2;
	[tilespmem:s8+$0xF720] =	vst v2;
	s6 =	sadd.s32 s8, s6;
	v57 =	vld [tilespmem:s5+$0x5600]  }
0x208: {  	s0 =	sor.u32 s17, s10;
	s25 =	sshra.s32 s24, $0x2;
	s4 =	sadd.s32 s8, s4;
	[tilespmem:s8+$0xF7A0] =	vst v3;
	v58 =	vld [tilespmem:s6+$0x5680]  }
0x209: {  	s1 =	sor.u32 s20, s11;
	s0 =	sshra.s32 s0, $0x2;
	[tilespmem:s8+$0xF820] =	vst v4;
	s5 =	sadd.s32 s8, s25;
	v59 =	vld [tilespmem:s4+$0x5700]  }
0x20a: {  	s3 =	sor.u32 s22, s21;
	s1 =	sshra.s32 s1, $0x2;
	s0 =	sadd.s32 s8, s0;
	[tilespmem:s8+$0xF8A0] =	vst v55;
	v60 =	vld [tilespmem:s5+$0x5780]  }
0x20b: {  	s3 =	sshra.s32 s3, $0x2;
	s1 =	sadd.s32 s8, s1;
	[tilespmem:s8+$0xF920] =	vst v56;
	v61 =	vld [tilespmem:s0+$0x5800]  }
0x20c: {  	s26 =	sadd.s32 s8, s3;
	v62 =	vld [tilespmem:s1+$0x5880];
	[tilespmem:s8+$0xF630] =	vst v57  }
0x20d: {  	v63 =	vld [tilespmem:s26+$0x5900];
	[tilespmem:s8+$0xF6B0] =	vst v58  }
0x20e: {  	[tilespmem:s8+$0xF730] =	vst v59  }
0x20f: {  	s2 =	sadd.s32 $0x1, s2;
	[tilespmem:s8+$0xF7B0] =	vst v60  }
0x210: {  	p0 =	sne.s32 s2, $0x50;
	[tilespmem:s8+$0xF830] =	vst v61  }
.Ltmp3:
0x211: {  	[tilespmem:s8+$0xF8B0] =	vst v62;
	(pc) =	sbr.rel @p0 .LBB2_2-.Ltmp3, $4  }
0x212: {  	s28 =	rddreg [dreg:$0xd];
	[tilespmem:s8+$0xF930] =	vst v63  }
0x213: {  	s0 =	sshll.u32 s28, $0x4;
	s29 =	rddreg [dreg:$0x5]  }
0x214: {  	s30 =	simm.s32 $0xF600;
	s0 =	sadd.s32 s29, s0  }
0x215: {  	[hbm4b:s0+s31] =	stream.linear.scatter [tilespmem:s30], [sflag:$0x5], $0x5000, $0x38;
	[tilespmem:$0x14600] =	vst v63  }
0x216: {  	s0 =	simm.s32 $0x4  }
0x217: {  	_ =	swait.ge [sflag:s0], $0x5000  }
0x218: {  	[sflag:s0] =	ssyncset.done $0x0  }
0x219: {  	s1 =	simm.s32 $0x5;
	[sflag:s0] =	ssyncadd.s32 $0xFFFFB000  }
0x21a: {  	_ =	swait.ge [sflag:s1], $0x5000  }
0x21b: {  	s2 =	rddreg [dreg:$0xc]  }
0x21c: {  	s30 =	rddreg [dreg:$0xb];
	s2 =	sadd.s32 $0x1, s2  }
0x21d: {  	p0 =	sne.s32 s2, s30  }
.Ltmp4:
0x21e: {  	_ = 	snop;
	(pc) =	sbr.rel @p0 .LBB2_1-.Ltmp4, $3  }
0x21f: {  	_ =	sdelay $0x1  }
0x220: {  	[sflag:s1] =	ssyncset.done $0x0  }
0x221: {  	[sflag:s1] =	ssyncadd.s32 $0xFFFFB000  }
0x222: {  	_ =	sfence.sel $0x180000  }
0x223: {  	[bflag:$0x0] =	sbarrier.arrive $0xFFFF  }
0x224: {  	_ =	strace $0x90000047  }
0x225: {  	s0 =	stileid.u32;
	[bflag:$0x2] =	sbarrier.arrive $0xFFFF  }
0x226: {  	p0 =	sne.s32 s0, $0x0;
	s0 =	rddreg [dreg:$0x3]  }
0x227: {  	s0 =	sadd.s32 @!p0 $0x100000, s0  }
0x228: {  	[sflag:s0] =	ssyncadd.tile.s32 @!p0 $0x1;
	_ =	shalt  }
.Lfunc_end2:
_tile_overlayer_lowered:
.L_overlay_start_2:
0x229: {  	(tag) =	ssettag $0x2  }
0x22a: {  	s0 =	rddreg [dreg:$0x0];
	s2 =	stileid.u32  }
0x22b: {  	s1 =	rddreg [dreg:$0x1];
	p0 =	sne.s32 s2, $0x0  }
0x22c: {  	s3 =	rddreg [dreg:$0x2];
	[bflag:$0x3] =	sbarrier.arrive $0xFFFF;
	s2 =	simm.s32 @!p0 $0x1C06  }
0x22d: {  	[timem:s3], [sflag:s2] =	dma.local @!p0 [hbm:s0], s1  }
0x22e: {  	s0 =	simm.s32 @!p0 $0x6  }
0x22f: {  	_ =	swait.ge @!p0 [sflag:s0], s1  }
0x230: {  	s1 =	ssub.s32 @!p0 $0x0, s1;
	[sflag:s0] =	ssyncset.done @!p0 $0x0  }
0x231: {  	[sflag:s0] =	ssyncadd.s32 @!p0 s1  }
0x232: {  	[bflag:$0x3] =	sbarrier.arrive $0xFFFF  }
0x233: {  	_ =	shalt  }

</sc_bundles>
